<compile_context>
chip_gen: v7x
topology: tpu7x:2x2x1
jax: 0.10.2.dev20260603
libtpu: 0.0.44.dev20260713+nightly
codegen_flags: <defaults>
</compile_context>

<pallas_src>
import functools

import jax
import jax.numpy as jnp
from jax import lax
from jax.experimental import pallas as pl
from jax.experimental.pallas import tpu as pltpu
from jax.experimental.pallas import tpu_sc as plsc

N_SEG = 10000
N_ROWS = 320000
D = 128

NC = 2
NS = 16
NW = NC * NS
ROWS_PER_W = N_ROWS // NW
CHUNK = 80
NCHUNK = ROWS_PER_W // CHUNK
NBUF = 3
STEADY = (NCHUNK // NBUF - 1) * NBUF
N_SEG_PAD = 10240
SEG_PER_TILE = N_SEG_PAD // NS


def _sc_partial_sums(x, batch2d):
    mesh = plsc.VectorSubcoreMesh(core_axis_name="c", subcore_axis_name="s")

    @functools.partial(
        pl.kernel,
        out_type=jax.ShapeDtypeStruct((NC, N_SEG_PAD, D), jnp.float32),
        mesh=mesh,
        scratch_types=[
            pltpu.VMEM((NCHUNK, CHUNK), jnp.int32),
            pltpu.VMEM((NBUF, CHUNK, D), jnp.float32),
            pltpu.VMEM_SHARED((N_SEG_PAD, D), jnp.float32),
        ] + [pltpu.SemaphoreType.DMA] * (NBUF + 1),
    )
    def body(x_hbm, b_hbm, out_hbm, ids_v, rows_v, acc, *sems):
        zsem = sems[NBUF]
        c = lax.axis_index("c")
        s = lax.axis_index("s")
        wid = c * NS + s
        row_base = wid * ROWS_PER_W

        for b in range(1, NBUF):
            pltpu.async_copy(
                x_hbm.at[pl.ds(row_base + b * CHUNK, CHUNK)],
                rows_v.at[b], sems[b])

        z16 = jnp.zeros((16,), jnp.float32)

        @pl.loop(0, CHUNK)
        def _(i):
            for g in range(D // 16):
                rows_v[0, i, pl.ds(g * 16, 16)] = z16

        for k in range(SEG_PER_TILE // CHUNK):
            pltpu.async_copy(
                rows_v.at[0],
                acc.at[pl.ds(s * SEG_PER_TILE + k * CHUNK, CHUNK)], zsem)
        pltpu.sync_copy(b_hbm.at[wid], ids_v)
        for k in range(SEG_PER_TILE // CHUNK):
            pltpu.make_async_copy(
                rows_v.at[0], acc.at[pl.ds(0, CHUNK)], zsem).wait()
        pltpu.async_copy(x_hbm.at[pl.ds(row_base, CHUNK)],
                         rows_v.at[0], sems[0])
        plsc.subcore_barrier()

        def wait_fetch(b):
            pltpu.make_async_copy(
                x_hbm.at[pl.ds(0, CHUNK)], rows_v.at[b], sems[b]).wait()

        @pl.loop(0, STEADY, step=NBUF)
        def _(j):
            for b in range(NBUF):
                wait_fetch(b)
                pltpu.sync_copy(rows_v.at[b], acc.at[ids_v.at[j + b]],
                                add=True)
                pltpu.async_copy(
                    x_hbm.at[pl.ds(row_base + (j + b + NBUF) * CHUNK, CHUNK)],
                    rows_v.at[b], sems[b])

        for t in range(STEADY, NCHUNK):
            b = t % NBUF
            wait_fetch(b)
            pltpu.sync_copy(rows_v.at[b], acc.at[ids_v.at[t]], add=True)
            if t + NBUF < NCHUNK:
                pltpu.async_copy(
                    x_hbm.at[pl.ds(row_base + (t + NBUF) * CHUNK, CHUNK)],
                    rows_v.at[b], sems[b])

        plsc.subcore_barrier()
        pltpu.sync_copy(acc.at[pl.ds(s * SEG_PER_TILE, SEG_PER_TILE)],
                        out_hbm.at[c, pl.ds(s * SEG_PER_TILE, SEG_PER_TILE)])

    return body(x, batch2d)


def _merge_body(p_ref, o_ref):
    o_ref[...] = p_ref[0] + p_ref[1]


def _merge(partials):
    blk = 5000
    return pl.pallas_call(
        _merge_body,
        grid=(N_SEG // blk,),
        in_specs=[pl.BlockSpec((NC, blk, D), lambda i: (0, i, 0))],
        out_specs=pl.BlockSpec((blk, D), lambda i: (i, 0)),
        out_shape=jax.ShapeDtypeStruct((N_SEG, D), jnp.float32),
    )(partials)


def kernel(x, batch):
    batch3d = batch.reshape(NW, NCHUNK, CHUNK)
    partials = _sc_partial_sums(x, batch3d)
    return _merge(partials)

# --- scband reference (transcript-rebuilt; emitter-appended) ---
"""Pipeline reference for scband-output-model-44641890075050 (READ-ONLY COPY).

The authoritative reference and input builder live on the scoring server;
editing this copy changes nothing except your own understanding.
"""

import jax, jax.numpy as jnp
import numpy as np

N_SEGMENTS = 10000
N_ROWS = 320000
D_FEAT = 128


def setup_inputs(seed: int = 0) -> dict:
    key = jax.random.key(seed)
    k1, k2 = jax.random.split(key)
    x = jax.random.normal(k1, (N_ROWS, D_FEAT), dtype=jnp.float32)
    batch = jnp.sort(jax.random.randint(k2, (N_ROWS,), 0, N_SEGMENTS, dtype=jnp.int32))
    return {"x": x, "batch": batch}


def reference(x, batch):
    # OutputModel.reduce: scatter(x, batch, dim=0, reduce='sum')
    # post_reduce is identity; pre_reduce is abstract (identity pass-through of features).
    out = jax.ops.segment_sum(x, batch, num_segments=N_SEGMENTS)
    return out

if __name__ == "__main__":
    import jax
    _d = setup_inputs()
    print(jax.jit(kernel)(*tuple(_d.values())))

</pallas_src>

<mosaic_0001>
#map = affine_map<(d0, d1) -> (0, 0)>
#map1 = affine_map<(d0, d1) -> (0, 0, 0)>
module attributes {stable_mosaic.version = 14 : i64} {
  func.func @body(%arg0: i32, %arg1: i32, %arg2: memref<320000x128xf32, #tpu.memory_space<hbm>>, %arg3: memref<32x125x80xi32, #tpu.memory_space<hbm>>, %arg4: memref<2x10240x128xf32, #tpu.memory_space<hbm>>, %arg5: memref<125x80xi32, #tpu.memory_space<vmem>>, %arg6: memref<3x80x128xf32, #tpu.memory_space<vmem>>, %arg7: memref<10240x128xf32, #tpu.memory_space<vmem_shared>>, %arg8: memref<!tpu.dma_semaphore, #tpu.memory_space<semaphore_mem>>, %arg9: memref<!tpu.dma_semaphore, #tpu.memory_space<semaphore_mem>>, %arg10: memref<!tpu.dma_semaphore, #tpu.memory_space<semaphore_mem>>, %arg11: memref<!tpu.dma_semaphore, #tpu.memory_space<semaphore_mem>>) attributes {dimension_semantics = [#tpu.dimension_semantics<core_parallel>, #tpu.dimension_semantics<subcore_parallel>], iteration_bounds = array<i64: 2, 16>, scalar_prefetch = 0 : i64, scratch_operands = 7 : i64, tpu.core_type = #tpu.core_type<sc_vector_subcore>, window_params = [{transform_indices = #map}, {transform_indices = #map1}, {transform_indices = #map1}]} {
    %mul3A = arith.constant 16 : i32
    %mul3A_0 = arith.muli %arg0, %mul3A : i32
    %add3A = arith.addi %mul3A_0, %arg1 : i32
    %mul3A_1 = arith.constant 10000 : i32
    %mul3A_2 = arith.muli %add3A, %mul3A_1 : i32
    %add3A_3 = arith.constant 80 : i32
    %add3A_4 = arith.addi %mul3A_2, %add3A_3 : i32
    %dma_start3A = arith.constant 1 : i32
    %dma_start3A_5 = arith.constant 0 : i32
    %dma_start3A_6 = arith.constant 0 : i32
    %dma_start3A_7 = tpu.memref_slice %arg6[%dma_start3A, %dma_start3A_5, %dma_start3A_6] : memref<3x80x128xf32, #tpu.memory_space<vmem>> -> memref<1x80x128xf32, #tpu.memory_space<vmem>>
    %dma_start3A_8 = tpu.memref_squeeze %dma_start3A_7 : memref<1x80x128xf32, #tpu.memory_space<vmem>> -> memref<80x128xf32, #tpu.memory_space<vmem>>
    %dma_start3A_9 = arith.constant 0 : i32
    %dma_start3A_10 = tpu.memref_slice %arg2[%add3A_4, %dma_start3A_9] : memref<320000x128xf32, #tpu.memory_space<hbm>> -> memref<80x128xf32, #tpu.memory_space<hbm>>
    %dma_start3A_11 = arith.constant 0 : i32
    %dma_start3A_12 = arith.constant 0 : i32
    %dma_start3A_13 = tpu.memref_slice %arg6[%dma_start3A, %dma_start3A_11, %dma_start3A_12] : memref<3x80x128xf32, #tpu.memory_space<vmem>> -> memref<1x80x128xf32, #tpu.memory_space<vmem>>
    %dma_start3A_14 = tpu.memref_squeeze %dma_start3A_13 : memref<1x80x128xf32, #tpu.memory_space<vmem>> -> memref<80x128xf32, #tpu.memory_space<vmem>>
    %dma_start3A_15 = arith.constant 0 : i32
    %dma_start3A_16 = tpu.memref_slice %arg2[%add3A_4, %dma_start3A_15] : memref<320000x128xf32, #tpu.memory_space<hbm>> -> memref<80x128xf32, #tpu.memory_space<hbm>>
    tpu.enqueue_dma source(%dma_start3A_16 : memref<80x128xf32, #tpu.memory_space<hbm>>) target(%dma_start3A_14 : memref<80x128xf32, #tpu.memory_space<vmem>>) target_semaphore(%arg9 : memref<!tpu.dma_semaphore, #tpu.memory_space<semaphore_mem>>)
    %add3A_17 = arith.constant 160 : i32
    %add3A_18 = arith.addi %mul3A_2, %add3A_17 : i32
    %dma_start3A_19 = arith.constant 2 : i32
    %dma_start3A_20 = arith.constant 0 : i32
    %dma_start3A_21 = arith.constant 0 : i32
    %dma_start3A_22 = tpu.memref_slice %arg6[%dma_start3A_19, %dma_start3A_20, %dma_start3A_21] : memref<3x80x128xf32, #tpu.memory_space<vmem>> -> memref<1x80x128xf32, #tpu.memory_space<vmem>>
    %dma_start3A_23 = tpu.memref_squeeze %dma_start3A_22 : memref<1x80x128xf32, #tpu.memory_space<vmem>> -> memref<80x128xf32, #tpu.memory_space<vmem>>
    %dma_start3A_24 = arith.constant 0 : i32
    %dma_start3A_25 = tpu.memref_slice %arg2[%add3A_18, %dma_start3A_24] : memref<320000x128xf32, #tpu.memory_space<hbm>> -> memref<80x128xf32, #tpu.memory_space<hbm>>
    %dma_start3A_26 = arith.constant 0 : i32
    %dma_start3A_27 = arith.constant 0 : i32
    %dma_start3A_28 = tpu.memref_slice %arg6[%dma_start3A_19, %dma_start3A_26, %dma_start3A_27] : memref<3x80x128xf32, #tpu.memory_space<vmem>> -> memref<1x80x128xf32, #tpu.memory_space<vmem>>
    %dma_start3A_29 = tpu.memref_squeeze %dma_start3A_28 : memref<1x80x128xf32, #tpu.memory_space<vmem>> -> memref<80x128xf32, #tpu.memory_space<vmem>>
    %dma_start3A_30 = arith.constant 0 : i32
    %dma_start3A_31 = tpu.memref_slice %arg2[%add3A_18, %dma_start3A_30] : memref<320000x128xf32, #tpu.memory_space<hbm>> -> memref<80x128xf32, #tpu.memory_space<hbm>>
    tpu.enqueue_dma source(%dma_start3A_31 : memref<80x128xf32, #tpu.memory_space<hbm>>) target(%dma_start3A_29 : memref<80x128xf32, #tpu.memory_space<vmem>>) target_semaphore(%arg10 : memref<!tpu.dma_semaphore, #tpu.memory_space<semaphore_mem>>)
    %broadcast_in_dim3A = arith.constant 0.000000e+00 : f32
    %broadcast_in_dim3A_32 = vector.broadcast %broadcast_in_dim3A : f32 to vector<16xf32>
    %scan3A = arith.constant 0 : i32
    %scan3A_33 = arith.constant 80 : i32
    %scan3A_34 = arith.addi %scan3A, %scan3A_33 : i32
    %scan3A_35 = arith.constant 1 : i32
    scf.for %scan3A_429 = %scan3A to %scan3A_34 step %scan3A_35  : i32 {
      %mul3A_430 = arith.constant 1 : i32
      %mul3A_431 = arith.muli %scan3A_429, %mul3A_430 : i32
      %add3A_432 = arith.constant 0 : i32
      %add3A_433 = arith.addi %add3A_432, %mul3A_431 : i32
      %swap3A = arith.constant 0 : i32
      %swap3A_434 = arith.index_cast %swap3A : i32 to index
      %swap3A_435 = arith.index_cast %add3A_433 : i32 to index
      %swap3A_436 = arith.constant 0 : index
      %swap3A_437 = tpu.vector_load %arg6[%swap3A_434, %swap3A_435, %swap3A_436] {strides = array<i32>} : memref<3x80x128xf32, #tpu.memory_space<vmem>>, vector<1x1x16xf32>,
      %swap3A_438 = vector.shape_cast %swap3A_437 : vector<1x1x16xf32> to vector<16xf32>
      %swap3A_439 = vector.shape_cast %broadcast_in_dim3A_32 : vector<16xf32> to vector<1x1x16xf32>
      tpu.vector_store %arg6[%swap3A_434, %swap3A_435, %swap3A_436], %swap3A_439 {strides = array<i32>} : memref<3x80x128xf32, #tpu.memory_space<vmem>>, vector<1x1x16xf32>,
      %swap3A_440 = arith.constant 0 : i32
      %swap3A_441 = arith.index_cast %swap3A_440 : i32 to index
      %swap3A_442 = arith.index_cast %add3A_433 : i32 to index
      %swap3A_443 = arith.constant 16 : index
      %swap3A_444 = tpu.vector_load %arg6[%swap3A_441, %swap3A_442, %swap3A_443] {strides = array<i32>} : memref<3x80x128xf32, #tpu.memory_space<vmem>>, vector<1x1x16xf32>,
      %swap3A_445 = vector.shape_cast %swap3A_444 : vector<1x1x16xf32> to vector<16xf32>
      %swap3A_446 = vector.shape_cast %broadcast_in_dim3A_32 : vector<16xf32> to vector<1x1x16xf32>
      tpu.vector_store %arg6[%swap3A_441, %swap3A_442, %swap3A_443], %swap3A_446 {strides = array<i32>} : memref<3x80x128xf32, #tpu.memory_space<vmem>>, vector<1x1x16xf32>,
      %swap3A_447 = arith.constant 0 : i32
      %swap3A_448 = arith.index_cast %swap3A_447 : i32 to index
      %swap3A_449 = arith.index_cast %add3A_433 : i32 to index
      %swap3A_450 = arith.constant 32 : index
      %swap3A_451 = tpu.vector_load %arg6[%swap3A_448, %swap3A_449, %swap3A_450] {strides = array<i32>} : memref<3x80x128xf32, #tpu.memory_space<vmem>>, vector<1x1x16xf32>,
      %swap3A_452 = vector.shape_cast %swap3A_451 : vector<1x1x16xf32> to vector<16xf32>
      %swap3A_453 = vector.shape_cast %broadcast_in_dim3A_32 : vector<16xf32> to vector<1x1x16xf32>
      tpu.vector_store %arg6[%swap3A_448, %swap3A_449, %swap3A_450], %swap3A_453 {strides = array<i32>} : memref<3x80x128xf32, #tpu.memory_space<vmem>>, vector<1x1x16xf32>,
      %swap3A_454 = arith.constant 0 : i32
      %swap3A_455 = arith.index_cast %swap3A_454 : i32 to index
      %swap3A_456 = arith.index_cast %add3A_433 : i32 to index
      %swap3A_457 = arith.constant 48 : index
      %swap3A_458 = tpu.vector_load %arg6[%swap3A_455, %swap3A_456, %swap3A_457] {strides = array<i32>} : memref<3x80x128xf32, #tpu.memory_space<vmem>>, vector<1x1x16xf32>,
      %swap3A_459 = vector.shape_cast %swap3A_458 : vector<1x1x16xf32> to vector<16xf32>
      %swap3A_460 = vector.shape_cast %broadcast_in_dim3A_32 : vector<16xf32> to vector<1x1x16xf32>
      tpu.vector_store %arg6[%swap3A_455, %swap3A_456, %swap3A_457], %swap3A_460 {strides = array<i32>} : memref<3x80x128xf32, #tpu.memory_space<vmem>>, vector<1x1x16xf32>,
      %swap3A_461 = arith.constant 0 : i32
      %swap3A_462 = arith.index_cast %swap3A_461 : i32 to index
      %swap3A_463 = arith.index_cast %add3A_433 : i32 to index
      %swap3A_464 = arith.constant 64 : index
      %swap3A_465 = tpu.vector_load %arg6[%swap3A_462, %swap3A_463, %swap3A_464] {strides = array<i32>} : memref<3x80x128xf32, #tpu.memory_space<vmem>>, vector<1x1x16xf32>,
      %swap3A_466 = vector.shape_cast %swap3A_465 : vector<1x1x16xf32> to vector<16xf32>
      %swap3A_467 = vector.shape_cast %broadcast_in_dim3A_32 : vector<16xf32> to vector<1x1x16xf32>
      tpu.vector_store %arg6[%swap3A_462, %swap3A_463, %swap3A_464], %swap3A_467 {strides = array<i32>} : memref<3x80x128xf32, #tpu.memory_space<vmem>>, vector<1x1x16xf32>,
      %swap3A_468 = arith.constant 0 : i32
      %swap3A_469 = arith.index_cast %swap3A_468 : i32 to index
      %swap3A_470 = arith.index_cast %add3A_433 : i32 to index
      %swap3A_471 = arith.constant 80 : index
      %swap3A_472 = tpu.vector_load %arg6[%swap3A_469, %swap3A_470, %swap3A_471] {strides = array<i32>} : memref<3x80x128xf32, #tpu.memory_space<vmem>>, vector<1x1x16xf32>,
      %swap3A_473 = vector.shape_cast %swap3A_472 : vector<1x1x16xf32> to vector<16xf32>
      %swap3A_474 = vector.shape_cast %broadcast_in_dim3A_32 : vector<16xf32> to vector<1x1x16xf32>
      tpu.vector_store %arg6[%swap3A_469, %swap3A_470, %swap3A_471], %swap3A_474 {strides = array<i32>} : memref<3x80x128xf32, #tpu.memory_space<vmem>>, vector<1x1x16xf32>,
      %swap3A_475 = arith.constant 0 : i32
      %swap3A_476 = arith.index_cast %swap3A_475 : i32 to index
      %swap3A_477 = arith.index_cast %add3A_433 : i32 to index
      %swap3A_478 = arith.constant 96 : index
      %swap3A_479 = tpu.vector_load %arg6[%swap3A_476, %swap3A_477, %swap3A_478] {strides = array<i32>} : memref<3x80x128xf32, #tpu.memory_space<vmem>>, vector<1x1x16xf32>,
      %swap3A_480 = vector.shape_cast %swap3A_479 : vector<1x1x16xf32> to vector<16xf32>
      %swap3A_481 = vector.shape_cast %broadcast_in_dim3A_32 : vector<16xf32> to vector<1x1x16xf32>
      tpu.vector_store %arg6[%swap3A_476, %swap3A_477, %swap3A_478], %swap3A_481 {strides = array<i32>} : memref<3x80x128xf32, #tpu.memory_space<vmem>>, vector<1x1x16xf32>,
      %swap3A_482 = arith.constant 0 : i32
      %swap3A_483 = arith.index_cast %swap3A_482 : i32 to index
      %swap3A_484 = arith.index_cast %add3A_433 : i32 to index
      %swap3A_485 = arith.constant 112 : index
      %swap3A_486 = tpu.vector_load %arg6[%swap3A_483, %swap3A_484, %swap3A_485] {strides = array<i32>} : memref<3x80x128xf32, #tpu.memory_space<vmem>>, vector<1x1x16xf32>,
      %swap3A_487 = vector.shape_cast %swap3A_486 : vector<1x1x16xf32> to vector<16xf32>
      %swap3A_488 = vector.shape_cast %broadcast_in_dim3A_32 : vector<16xf32> to vector<1x1x16xf32>
      tpu.vector_store %arg6[%swap3A_483, %swap3A_484, %swap3A_485], %swap3A_488 {strides = array<i32>} : memref<3x80x128xf32, #tpu.memory_space<vmem>>, vector<1x1x16xf32>,
    }
    %scan3A_36 = arith.constant 80 : i32
    %mul3A_37 = arith.constant 640 : i32
    %mul3A_38 = arith.muli %arg1, %mul3A_37 : i32
    %add3A_39 = arith.constant 0 : i32
    %add3A_40 = arith.addi %mul3A_38, %add3A_39 : i32
    %dma_start3A_41 = arith.constant 0 : i32
    %dma_start3A_42 = arith.constant 0 : i32
    %dma_start3A_43 = arith.constant 0 : i32
    %dma_start3A_44 = tpu.memref_slice %arg6[%dma_start3A_41, %dma_start3A_42, %dma_start3A_43] : memref<3x80x128xf32, #tpu.memory_space<vmem>> -> memref<1x80x128xf32, #tpu.memory_space<vmem>>
    %dma_start3A_45 = tpu.memref_squeeze %dma_start3A_44 : memref<1x80x128xf32, #tpu.memory_space<vmem>> -> memref<80x128xf32, #tpu.memory_space<vmem>>
    %dma_start3A_46 = arith.constant 0 : i32
    %dma_start3A_47 = tpu.memref_slice %arg7[%add3A_40, %dma_start3A_46] : memref<10240x128xf32, #tpu.memory_space<vmem_shared>> -> memref<80x128xf32, #tpu.memory_space<vmem_shared>>
    %dma_start3A_48 = arith.constant 0 : i32
    %dma_start3A_49 = tpu.memref_slice %arg7[%add3A_40, %dma_start3A_48] : memref<10240x128xf32, #tpu.memory_space<vmem_shared>> -> memref<80x128xf32, #tpu.memory_space<vmem_shared>>
    %dma_start3A_50 = arith.constant 0 : i32
    %dma_start3A_51 = arith.constant 0 : i32
    %dma_start3A_52 = tpu.memref_slice %arg6[%dma_start3A_41, %dma_start3A_50, %dma_start3A_51] : memref<3x80x128xf32, #tpu.memory_space<vmem>> -> memref<1x80x128xf32, #tpu.memory_space<vmem>>
    %dma_start3A_53 = tpu.memref_squeeze %dma_start3A_52 : memref<1x80x128xf32, #tpu.memory_space<vmem>> -> memref<80x128xf32, #tpu.memory_space<vmem>>
    tpu.enqueue_dma source(%dma_start3A_53 : memref<80x128xf32, #tpu.memory_space<vmem>>) target(%dma_start3A_49 : memref<80x128xf32, #tpu.memory_space<vmem_shared>>) target_semaphore(%arg11 : memref<!tpu.dma_semaphore, #tpu.memory_space<semaphore_mem>>)
    %mul3A_54 = arith.constant 640 : i32
    %mul3A_55 = arith.muli %arg1, %mul3A_54 : i32
    %add3A_56 = arith.constant 80 : i32
    %add3A_57 = arith.addi %mul3A_55, %add3A_56 : i32
    %dma_start3A_58 = arith.constant 0 : i32
    %dma_start3A_59 = arith.constant 0 : i32
    %dma_start3A_60 = arith.constant 0 : i32
    %dma_start3A_61 = tpu.memref_slice %arg6[%dma_start3A_58, %dma_start3A_59, %dma_start3A_60] : memref<3x80x128xf32, #tpu.memory_space<vmem>> -> memref<1x80x128xf32, #tpu.memory_space<vmem>>
    %dma_start3A_62 = tpu.memref_squeeze %dma_start3A_61 : memref<1x80x128xf32, #tpu.memory_space<vmem>> -> memref<80x128xf32, #tpu.memory_space<vmem>>
    %dma_start3A_63 = arith.constant 0 : i32
    %dma_start3A_64 = tpu.memref_slice %arg7[%add3A_57, %dma_start3A_63] : memref<10240x128xf32, #tpu.memory_space<vmem_shared>> -> memref<80x128xf32, #tpu.memory_space<vmem_shared>>
    %dma_start3A_65 = arith.constant 0 : i32
    %dma_start3A_66 = tpu.memref_slice %arg7[%add3A_57, %dma_start3A_65] : memref<10240x128xf32, #tpu.memory_space<vmem_shared>> -> memref<80x128xf32, #tpu.memory_space<vmem_shared>>
    %dma_start3A_67 = arith.constant 0 : i32
    %dma_start3A_68 = arith.constant 0 : i32
    %dma_start3A_69 = tpu.memref_slice %arg6[%dma_start3A_58, %dma_start3A_67, %dma_start3A_68] : memref<3x80x128xf32, #tpu.memory_space<vmem>> -> memref<1x80x128xf32, #tpu.memory_space<vmem>>
    %dma_start3A_70 = tpu.memref_squeeze %dma_start3A_69 : memref<1x80x128xf32, #tpu.memory_space<vmem>> -> memref<80x128xf32, #tpu.memory_space<vmem>>
    tpu.enqueue_dma source(%dma_start3A_70 : memref<80x128xf32, #tpu.memory_space<vmem>>) target(%dma_start3A_66 : memref<80x128xf32, #tpu.memory_space<vmem_shared>>) target_semaphore(%arg11 : memref<!tpu.dma_semaphore, #tpu.memory_space<semaphore_mem>>)
    %mul3A_71 = arith.constant 640 : i32
    %mul3A_72 = arith.muli %arg1, %mul3A_71 : i32
    %add3A_73 = arith.constant 160 : i32
    %add3A_74 = arith.addi %mul3A_72, %add3A_73 : i32
    %dma_start3A_75 = arith.constant 0 : i32
    %dma_start3A_76 = arith.constant 0 : i32
    %dma_start3A_77 = arith.constant 0 : i32
    %dma_start3A_78 = tpu.memref_slice %arg6[%dma_start3A_75, %dma_start3A_76, %dma_start3A_77] : memref<3x80x128xf32, #tpu.memory_space<vmem>> -> memref<1x80x128xf32, #tpu.memory_space<vmem>>
    %dma_start3A_79 = tpu.memref_squeeze %dma_start3A_78 : memref<1x80x128xf32, #tpu.memory_space<vmem>> -> memref<80x128xf32, #tpu.memory_space<vmem>>
    %dma_start3A_80 = arith.constant 0 : i32
    %dma_start3A_81 = tpu.memref_slice %arg7[%add3A_74, %dma_start3A_80] : memref<10240x128xf32, #tpu.memory_space<vmem_shared>> -> memref<80x128xf32, #tpu.memory_space<vmem_shared>>
    %dma_start3A_82 = arith.constant 0 : i32
    %dma_start3A_83 = tpu.memref_slice %arg7[%add3A_74, %dma_start3A_82] : memref<10240x128xf32, #tpu.memory_space<vmem_shared>> -> memref<80x128xf32, #tpu.memory_space<vmem_shared>>
    %dma_start3A_84 = arith.constant 0 : i32
    %dma_start3A_85 = arith.constant 0 : i32
    %dma_start3A_86 = tpu.memref_slice %arg6[%dma_start3A_75, %dma_start3A_84, %dma_start3A_85] : memref<3x80x128xf32, #tpu.memory_space<vmem>> -> memref<1x80x128xf32, #tpu.memory_space<vmem>>
    %dma_start3A_87 = tpu.memref_squeeze %dma_start3A_86 : memref<1x80x128xf32, #tpu.memory_space<vmem>> -> memref<80x128xf32, #tpu.memory_space<vmem>>
    tpu.enqueue_dma source(%dma_start3A_87 : memref<80x128xf32, #tpu.memory_space<vmem>>) target(%dma_start3A_83 : memref<80x128xf32, #tpu.memory_space<vmem_shared>>) target_semaphore(%arg11 : memref<!tpu.dma_semaphore, #tpu.memory_space<semaphore_mem>>)
    %mul3A_88 = arith.constant 640 : i32
    %mul3A_89 = arith.muli %arg1, %mul3A_88 : i32
    %add3A_90 = arith.constant 240 : i32
    %add3A_91 = arith.addi %mul3A_89, %add3A_90 : i32
    %dma_start3A_92 = arith.constant 0 : i32
    %dma_start3A_93 = arith.constant 0 : i32
    %dma_start3A_94 = arith.constant 0 : i32
    %dma_start3A_95 = tpu.memref_slice %arg6[%dma_start3A_92, %dma_start3A_93, %dma_start3A_94] : memref<3x80x128xf32, #tpu.memory_space<vmem>> -> memref<1x80x128xf32, #tpu.memory_space<vmem>>
    %dma_start3A_96 = tpu.memref_squeeze %dma_start3A_95 : memref<1x80x128xf32, #tpu.memory_space<vmem>> -> memref<80x128xf32, #tpu.memory_space<vmem>>
    %dma_start3A_97 = arith.constant 0 : i32
    %dma_start3A_98 = tpu.memref_slice %arg7[%add3A_91, %dma_start3A_97] : memref<10240x128xf32, #tpu.memory_space<vmem_shared>> -> memref<80x128xf32, #tpu.memory_space<vmem_shared>>
    %dma_start3A_99 = arith.constant 0 : i32
    %dma_start3A_100 = tpu.memref_slice %arg7[%add3A_91, %dma_start3A_99] : memref<10240x128xf32, #tpu.memory_space<vmem_shared>> -> memref<80x128xf32, #tpu.memory_space<vmem_shared>>
    %dma_start3A_101 = arith.constant 0 : i32
    %dma_start3A_102 = arith.constant 0 : i32
    %dma_start3A_103 = tpu.memref_slice %arg6[%dma_start3A_92, %dma_start3A_101, %dma_start3A_102] : memref<3x80x128xf32, #tpu.memory_space<vmem>> -> memref<1x80x128xf32, #tpu.memory_space<vmem>>
    %dma_start3A_104 = tpu.memref_squeeze %dma_start3A_103 : memref<1x80x128xf32, #tpu.memory_space<vmem>> -> memref<80x128xf32, #tpu.memory_space<vmem>>
    tpu.enqueue_dma source(%dma_start3A_104 : memref<80x128xf32, #tpu.memory_space<vmem>>) target(%dma_start3A_100 : memref<80x128xf32, #tpu.memory_space<vmem_shared>>) target_semaphore(%arg11 : memref<!tpu.dma_semaphore, #tpu.memory_space<semaphore_mem>>)
    %mul3A_105 = arith.constant 640 : i32
    %mul3A_106 = arith.muli %arg1, %mul3A_105 : i32
    %add3A_107 = arith.constant 320 : i32
    %add3A_108 = arith.addi %mul3A_106, %add3A_107 : i32
    %dma_start3A_109 = arith.constant 0 : i32
    %dma_start3A_110 = arith.constant 0 : i32
    %dma_start3A_111 = arith.constant 0 : i32
    %dma_start3A_112 = tpu.memref_slice %arg6[%dma_start3A_109, %dma_start3A_110, %dma_start3A_111] : memref<3x80x128xf32, #tpu.memory_space<vmem>> -> memref<1x80x128xf32, #tpu.memory_space<vmem>>
    %dma_start3A_113 = tpu.memref_squeeze %dma_start3A_112 : memref<1x80x128xf32, #tpu.memory_space<vmem>> -> memref<80x128xf32, #tpu.memory_space<vmem>>
    %dma_start3A_114 = arith.constant 0 : i32
    %dma_start3A_115 = tpu.memref_slice %arg7[%add3A_108, %dma_start3A_114] : memref<10240x128xf32, #tpu.memory_space<vmem_shared>> -> memref<80x128xf32, #tpu.memory_space<vmem_shared>>
    %dma_start3A_116 = arith.constant 0 : i32
    %dma_start3A_117 = tpu.memref_slice %arg7[%add3A_108, %dma_start3A_116] : memref<10240x128xf32, #tpu.memory_space<vmem_shared>> -> memref<80x128xf32, #tpu.memory_space<vmem_shared>>
    %dma_start3A_118 = arith.constant 0 : i32
    %dma_start3A_119 = arith.constant 0 : i32
    %dma_start3A_120 = tpu.memref_slice %arg6[%dma_start3A_109, %dma_start3A_118, %dma_start3A_119] : memref<3x80x128xf32, #tpu.memory_space<vmem>> -> memref<1x80x128xf32, #tpu.memory_space<vmem>>
    %dma_start3A_121 = tpu.memref_squeeze %dma_start3A_120 : memref<1x80x128xf32, #tpu.memory_space<vmem>> -> memref<80x128xf32, #tpu.memory_space<vmem>>
    tpu.enqueue_dma source(%dma_start3A_121 : memref<80x128xf32, #tpu.memory_space<vmem>>) target(%dma_start3A_117 : memref<80x128xf32, #tpu.memory_space<vmem_shared>>) target_semaphore(%arg11 : memref<!tpu.dma_semaphore, #tpu.memory_space<semaphore_mem>>)
    %mul3A_122 = arith.constant 640 : i32
    %mul3A_123 = arith.muli %arg1, %mul3A_122 : i32
    %add3A_124 = arith.constant 400 : i32
    %add3A_125 = arith.addi %mul3A_123, %add3A_124 : i32
    %dma_start3A_126 = arith.constant 0 : i32
    %dma_start3A_127 = arith.constant 0 : i32
    %dma_start3A_128 = arith.constant 0 : i32
    %dma_start3A_129 = tpu.memref_slice %arg6[%dma_start3A_126, %dma_start3A_127, %dma_start3A_128] : memref<3x80x128xf32, #tpu.memory_space<vmem>> -> memref<1x80x128xf32, #tpu.memory_space<vmem>>
    %dma_start3A_130 = tpu.memref_squeeze %dma_start3A_129 : memref<1x80x128xf32, #tpu.memory_space<vmem>> -> memref<80x128xf32, #tpu.memory_space<vmem>>
    %dma_start3A_131 = arith.constant 0 : i32
    %dma_start3A_132 = tpu.memref_slice %arg7[%add3A_125, %dma_start3A_131] : memref<10240x128xf32, #tpu.memory_space<vmem_shared>> -> memref<80x128xf32, #tpu.memory_space<vmem_shared>>
    %dma_start3A_133 = arith.constant 0 : i32
    %dma_start3A_134 = tpu.memref_slice %arg7[%add3A_125, %dma_start3A_133] : memref<10240x128xf32, #tpu.memory_space<vmem_shared>> -> memref<80x128xf32, #tpu.memory_space<vmem_shared>>
    %dma_start3A_135 = arith.constant 0 : i32
    %dma_start3A_136 = arith.constant 0 : i32
    %dma_start3A_137 = tpu.memref_slice %arg6[%dma_start3A_126, %dma_start3A_135, %dma_start3A_136] : memref<3x80x128xf32, #tpu.memory_space<vmem>> -> memref<1x80x128xf32, #tpu.memory_space<vmem>>
    %dma_start3A_138 = tpu.memref_squeeze %dma_start3A_137 : memref<1x80x128xf32, #tpu.memory_space<vmem>> -> memref<80x128xf32, #tpu.memory_space<vmem>>
    tpu.enqueue_dma source(%dma_start3A_138 : memref<80x128xf32, #tpu.memory_space<vmem>>) target(%dma_start3A_134 : memref<80x128xf32, #tpu.memory_space<vmem_shared>>) target_semaphore(%arg11 : memref<!tpu.dma_semaphore, #tpu.memory_space<semaphore_mem>>)
    %mul3A_139 = arith.constant 640 : i32
    %mul3A_140 = arith.muli %arg1, %mul3A_139 : i32
    %add3A_141 = arith.constant 480 : i32
    %add3A_142 = arith.addi %mul3A_140, %add3A_141 : i32
    %dma_start3A_143 = arith.constant 0 : i32
    %dma_start3A_144 = arith.constant 0 : i32
    %dma_start3A_145 = arith.constant 0 : i32
    %dma_start3A_146 = tpu.memref_slice %arg6[%dma_start3A_143, %dma_start3A_144, %dma_start3A_145] : memref<3x80x128xf32, #tpu.memory_space<vmem>> -> memref<1x80x128xf32, #tpu.memory_space<vmem>>
    %dma_start3A_147 = tpu.memref_squeeze %dma_start3A_146 : memref<1x80x128xf32, #tpu.memory_space<vmem>> -> memref<80x128xf32, #tpu.memory_space<vmem>>
    %dma_start3A_148 = arith.constant 0 : i32
    %dma_start3A_149 = tpu.memref_slice %arg7[%add3A_142, %dma_start3A_148] : memref<10240x128xf32, #tpu.memory_space<vmem_shared>> -> memref<80x128xf32, #tpu.memory_space<vmem_shared>>
    %dma_start3A_150 = arith.constant 0 : i32
    %dma_start3A_151 = tpu.memref_slice %arg7[%add3A_142, %dma_start3A_150] : memref<10240x128xf32, #tpu.memory_space<vmem_shared>> -> memref<80x128xf32, #tpu.memory_space<vmem_shared>>
    %dma_start3A_152 = arith.constant 0 : i32
    %dma_start3A_153 = arith.constant 0 : i32
    %dma_start3A_154 = tpu.memref_slice %arg6[%dma_start3A_143, %dma_start3A_152, %dma_start3A_153] : memref<3x80x128xf32, #tpu.memory_space<vmem>> -> memref<1x80x128xf32, #tpu.memory_space<vmem>>
    %dma_start3A_155 = tpu.memref_squeeze %dma_start3A_154 : memref<1x80x128xf32, #tpu.memory_space<vmem>> -> memref<80x128xf32, #tpu.memory_space<vmem>>
    tpu.enqueue_dma source(%dma_start3A_155 : memref<80x128xf32, #tpu.memory_space<vmem>>) target(%dma_start3A_151 : memref<80x128xf32, #tpu.memory_space<vmem_shared>>) target_semaphore(%arg11 : memref<!tpu.dma_semaphore, #tpu.memory_space<semaphore_mem>>)
    %mul3A_156 = arith.constant 640 : i32
    %mul3A_157 = arith.muli %arg1, %mul3A_156 : i32
    %add3A_158 = arith.constant 560 : i32
    %add3A_159 = arith.addi %mul3A_157, %add3A_158 : i32
    %dma_start3A_160 = arith.constant 0 : i32
    %dma_start3A_161 = arith.constant 0 : i32
    %dma_start3A_162 = arith.constant 0 : i32
    %dma_start3A_163 = tpu.memref_slice %arg6[%dma_start3A_160, %dma_start3A_161, %dma_start3A_162] : memref<3x80x128xf32, #tpu.memory_space<vmem>> -> memref<1x80x128xf32, #tpu.memory_space<vmem>>
    %dma_start3A_164 = tpu.memref_squeeze %dma_start3A_163 : memref<1x80x128xf32, #tpu.memory_space<vmem>> -> memref<80x128xf32, #tpu.memory_space<vmem>>
    %dma_start3A_165 = arith.constant 0 : i32
    %dma_start3A_166 = tpu.memref_slice %arg7[%add3A_159, %dma_start3A_165] : memref<10240x128xf32, #tpu.memory_space<vmem_shared>> -> memref<80x128xf32, #tpu.memory_space<vmem_shared>>
    %dma_start3A_167 = arith.constant 0 : i32
    %dma_start3A_168 = tpu.memref_slice %arg7[%add3A_159, %dma_start3A_167] : memref<10240x128xf32, #tpu.memory_space<vmem_shared>> -> memref<80x128xf32, #tpu.memory_space<vmem_shared>>
    %dma_start3A_169 = arith.constant 0 : i32
    %dma_start3A_170 = arith.constant 0 : i32
    %dma_start3A_171 = tpu.memref_slice %arg6[%dma_start3A_160, %dma_start3A_169, %dma_start3A_170] : memref<3x80x128xf32, #tpu.memory_space<vmem>> -> memref<1x80x128xf32, #tpu.memory_space<vmem>>
    %dma_start3A_172 = tpu.memref_squeeze %dma_start3A_171 : memref<1x80x128xf32, #tpu.memory_space<vmem>> -> memref<80x128xf32, #tpu.memory_space<vmem>>
    tpu.enqueue_dma source(%dma_start3A_172 : memref<80x128xf32, #tpu.memory_space<vmem>>) target(%dma_start3A_168 : memref<80x128xf32, #tpu.memory_space<vmem_shared>>) target_semaphore(%arg11 : memref<!tpu.dma_semaphore, #tpu.memory_space<semaphore_mem>>)
    "tpu.region"() ({
      %run_scoped3A_429 = tpu.sem_alloc : memref<!tpu.dma_semaphore, #tpu.memory_space<semaphore_mem>>
      %dma_start3A_430 = arith.constant 0 : i32
      %dma_start3A_431 = arith.constant 0 : i32
      %dma_start3A_432 = tpu.memref_slice %arg3[%add3A, %dma_start3A_430, %dma_start3A_431] : memref<32x125x80xi32, #tpu.memory_space<hbm>> -> memref<1x125x80xi32, #tpu.memory_space<hbm>>
      %dma_start3A_433 = tpu.memref_squeeze %dma_start3A_432 : memref<1x125x80xi32, #tpu.memory_space<hbm>> -> memref<125x80xi32, #tpu.memory_space<hbm>>
      %dma_start3A_434 = arith.constant 0 : i32
      %dma_start3A_435 = arith.constant 0 : i32
      %dma_start3A_436 = tpu.memref_slice %arg3[%add3A, %dma_start3A_434, %dma_start3A_435] : memref<32x125x80xi32, #tpu.memory_space<hbm>> -> memref<1x125x80xi32, #tpu.memory_space<hbm>>
      %dma_start3A_437 = tpu.memref_squeeze %dma_start3A_436 : memref<1x125x80xi32, #tpu.memory_space<hbm>> -> memref<125x80xi32, #tpu.memory_space<hbm>>
      tpu.enqueue_dma source(%dma_start3A_437 : memref<125x80xi32, #tpu.memory_space<hbm>>) target(%arg5 : memref<125x80xi32, #tpu.memory_space<vmem>>) target_semaphore(%run_scoped3A_429 : memref<!tpu.dma_semaphore, #tpu.memory_space<semaphore_mem>>)
      %dma_wait3A_438 = arith.constant 0 : i32
      %dma_wait3A_439 = arith.constant 0 : i32
      %dma_wait3A_440 = tpu.memref_slice %arg3[%add3A, %dma_wait3A_438, %dma_wait3A_439] : memref<32x125x80xi32, #tpu.memory_space<hbm>> -> memref<1x125x80xi32, #tpu.memory_space<hbm>>
      %dma_wait3A_441 = tpu.memref_squeeze %dma_wait3A_440 : memref<1x125x80xi32, #tpu.memory_space<hbm>> -> memref<125x80xi32, #tpu.memory_space<hbm>>
      %dma_wait3A_442 = arith.constant 0 : i32
      %dma_wait3A_443 = arith.constant 0 : i32
      %dma_wait3A_444 = tpu.memref_slice %arg3[%add3A, %dma_wait3A_442, %dma_wait3A_443] : memref<32x125x80xi32, #tpu.memory_space<hbm>> -> memref<1x125x80xi32, #tpu.memory_space<hbm>>
      %dma_wait3A_445 = tpu.memref_squeeze %dma_wait3A_444 : memref<1x125x80xi32, #tpu.memory_space<hbm>> -> memref<125x80xi32, #tpu.memory_space<hbm>>
      tpu.wait_dma2 semaphore(%run_scoped3A_429 : memref<!tpu.dma_semaphore, #tpu.memory_space<semaphore_mem>>) src(%dma_wait3A_445 : memref<125x80xi32, #tpu.memory_space<hbm>>) dst(%arg5 : memref<125x80xi32, #tpu.memory_space<vmem>>)
      tpu.yield
    }) : () -> ()
    %dma_wait3A = arith.constant 0 : i32
    %dma_wait3A_173 = arith.constant 0 : i32
    %dma_wait3A_174 = arith.constant 0 : i32
    %dma_wait3A_175 = tpu.memref_slice %arg6[%dma_wait3A, %dma_wait3A_173, %dma_wait3A_174] : memref<3x80x128xf32, #tpu.memory_space<vmem>> -> memref<1x80x128xf32, #tpu.memory_space<vmem>>
    %dma_wait3A_176 = tpu.memref_squeeze %dma_wait3A_175 : memref<1x80x128xf32, #tpu.memory_space<vmem>> -> memref<80x128xf32, #tpu.memory_space<vmem>>
    %dma_wait3A_177 = arith.constant 0 : i32
    %dma_wait3A_178 = arith.constant 0 : i32
    %dma_wait3A_179 = tpu.memref_slice %arg7[%dma_wait3A_177, %dma_wait3A_178] : memref<10240x128xf32, #tpu.memory_space<vmem_shared>> -> memref<80x128xf32, #tpu.memory_space<vmem_shared>>
    %dma_wait3A_180 = arith.constant 0 : i32
    %dma_wait3A_181 = arith.constant 0 : i32
    %dma_wait3A_182 = tpu.memref_slice %arg7[%dma_wait3A_180, %dma_wait3A_181] : memref<10240x128xf32, #tpu.memory_space<vmem_shared>> -> memref<80x128xf32, #tpu.memory_space<vmem_shared>>
    %dma_wait3A_183 = arith.constant 0 : i32
    %dma_wait3A_184 = arith.constant 0 : i32
    %dma_wait3A_185 = tpu.memref_slice %arg6[%dma_wait3A, %dma_wait3A_183, %dma_wait3A_184] : memref<3x80x128xf32, #tpu.memory_space<vmem>> -> memref<1x80x128xf32, #tpu.memory_space<vmem>>
    %dma_wait3A_186 = tpu.memref_squeeze %dma_wait3A_185 : memref<1x80x128xf32, #tpu.memory_space<vmem>> -> memref<80x128xf32, #tpu.memory_space<vmem>>
    tpu.wait_dma2 semaphore(%arg11 : memref<!tpu.dma_semaphore, #tpu.memory_space<semaphore_mem>>) src(%dma_wait3A_186 : memref<80x128xf32, #tpu.memory_space<vmem>>) dst(%dma_wait3A_182 : memref<80x128xf32, #tpu.memory_space<vmem_shared>>)
    %dma_wait3A_187 = arith.constant 0 : i32
    %dma_wait3A_188 = arith.constant 0 : i32
    %dma_wait3A_189 = arith.constant 0 : i32
    %dma_wait3A_190 = tpu.memref_slice %arg6[%dma_wait3A_187, %dma_wait3A_188, %dma_wait3A_189] : memref<3x80x128xf32, #tpu.memory_space<vmem>> -> memref<1x80x128xf32, #tpu.memory_space<vmem>>
    %dma_wait3A_191 = tpu.memref_squeeze %dma_wait3A_190 : memref<1x80x128xf32, #tpu.memory_space<vmem>> -> memref<80x128xf32, #tpu.memory_space<vmem>>
    %dma_wait3A_192 = arith.constant 0 : i32
    %dma_wait3A_193 = arith.constant 0 : i32
    %dma_wait3A_194 = tpu.memref_slice %arg7[%dma_wait3A_192, %dma_wait3A_193] : memref<10240x128xf32, #tpu.memory_space<vmem_shared>> -> memref<80x128xf32, #tpu.memory_space<vmem_shared>>
    %dma_wait3A_195 = arith.constant 0 : i32
    %dma_wait3A_196 = arith.constant 0 : i32
    %dma_wait3A_197 = tpu.memref_slice %arg7[%dma_wait3A_195, %dma_wait3A_196] : memref<10240x128xf32, #tpu.memory_space<vmem_shared>> -> memref<80x128xf32, #tpu.memory_space<vmem_shared>>
    %dma_wait3A_198 = arith.constant 0 : i32
    %dma_wait3A_199 = arith.constant 0 : i32
    %dma_wait3A_200 = tpu.memref_slice %arg6[%dma_wait3A_187, %dma_wait3A_198, %dma_wait3A_199] : memref<3x80x128xf32, #tpu.memory_space<vmem>> -> memref<1x80x128xf32, #tpu.memory_space<vmem>>
    %dma_wait3A_201 = tpu.memref_squeeze %dma_wait3A_200 : memref<1x80x128xf32, #tpu.memory_space<vmem>> -> memref<80x128xf32, #tpu.memory_space<vmem>>
    tpu.wait_dma2 semaphore(%arg11 : memref<!tpu.dma_semaphore, #tpu.memory_space<semaphore_mem>>) src(%dma_wait3A_201 : memref<80x128xf32, #tpu.memory_space<vmem>>) dst(%dma_wait3A_197 : memref<80x128xf32, #tpu.memory_space<vmem_shared>>)
    %dma_wait3A_202 = arith.constant 0 : i32
    %dma_wait3A_203 = arith.constant 0 : i32
    %dma_wait3A_204 = arith.constant 0 : i32
    %dma_wait3A_205 = tpu.memref_slice %arg6[%dma_wait3A_202, %dma_wait3A_203, %dma_wait3A_204] : memref<3x80x128xf32, #tpu.memory_space<vmem>> -> memref<1x80x128xf32, #tpu.memory_space<vmem>>
    %dma_wait3A_206 = tpu.memref_squeeze %dma_wait3A_205 : memref<1x80x128xf32, #tpu.memory_space<vmem>> -> memref<80x128xf32, #tpu.memory_space<vmem>>
    %dma_wait3A_207 = arith.constant 0 : i32
    %dma_wait3A_208 = arith.constant 0 : i32
    %dma_wait3A_209 = tpu.memref_slice %arg7[%dma_wait3A_207, %dma_wait3A_208] : memref<10240x128xf32, #tpu.memory_space<vmem_shared>> -> memref<80x128xf32, #tpu.memory_space<vmem_shared>>
    %dma_wait3A_210 = arith.constant 0 : i32
    %dma_wait3A_211 = arith.constant 0 : i32
    %dma_wait3A_212 = tpu.memref_slice %arg7[%dma_wait3A_210, %dma_wait3A_211] : memref<10240x128xf32, #tpu.memory_space<vmem_shared>> -> memref<80x128xf32, #tpu.memory_space<vmem_shared>>
    %dma_wait3A_213 = arith.constant 0 : i32
    %dma_wait3A_214 = arith.constant 0 : i32
    %dma_wait3A_215 = tpu.memref_slice %arg6[%dma_wait3A_202, %dma_wait3A_213, %dma_wait3A_214] : memref<3x80x128xf32, #tpu.memory_space<vmem>> -> memref<1x80x128xf32, #tpu.memory_space<vmem>>
    %dma_wait3A_216 = tpu.memref_squeeze %dma_wait3A_215 : memref<1x80x128xf32, #tpu.memory_space<vmem>> -> memref<80x128xf32, #tpu.memory_space<vmem>>
    tpu.wait_dma2 semaphore(%arg11 : memref<!tpu.dma_semaphore, #tpu.memory_space<semaphore_mem>>) src(%dma_wait3A_216 : memref<80x128xf32, #tpu.memory_space<vmem>>) dst(%dma_wait3A_212 : memref<80x128xf32, #tpu.memory_space<vmem_shared>>)
    %dma_wait3A_217 = arith.constant 0 : i32
    %dma_wait3A_218 = arith.constant 0 : i32
    %dma_wait3A_219 = arith.constant 0 : i32
    %dma_wait3A_220 = tpu.memref_slice %arg6[%dma_wait3A_217, %dma_wait3A_218, %dma_wait3A_219] : memref<3x80x128xf32, #tpu.memory_space<vmem>> -> memref<1x80x128xf32, #tpu.memory_space<vmem>>
    %dma_wait3A_221 = tpu.memref_squeeze %dma_wait3A_220 : memref<1x80x128xf32, #tpu.memory_space<vmem>> -> memref<80x128xf32, #tpu.memory_space<vmem>>
    %dma_wait3A_222 = arith.constant 0 : i32
    %dma_wait3A_223 = arith.constant 0 : i32
    %dma_wait3A_224 = tpu.memref_slice %arg7[%dma_wait3A_222, %dma_wait3A_223] : memref<10240x128xf32, #tpu.memory_space<vmem_shared>> -> memref<80x128xf32, #tpu.memory_space<vmem_shared>>
    %dma_wait3A_225 = arith.constant 0 : i32
    %dma_wait3A_226 = arith.constant 0 : i32
    %dma_wait3A_227 = tpu.memref_slice %arg7[%dma_wait3A_225, %dma_wait3A_226] : memref<10240x128xf32, #tpu.memory_space<vmem_shared>> -> memref<80x128xf32, #tpu.memory_space<vmem_shared>>
    %dma_wait3A_228 = arith.constant 0 : i32
    %dma_wait3A_229 = arith.constant 0 : i32
    %dma_wait3A_230 = tpu.memref_slice %arg6[%dma_wait3A_217, %dma_wait3A_228, %dma_wait3A_229] : memref<3x80x128xf32, #tpu.memory_space<vmem>> -> memref<1x80x128xf32, #tpu.memory_space<vmem>>
    %dma_wait3A_231 = tpu.memref_squeeze %dma_wait3A_230 : memref<1x80x128xf32, #tpu.memory_space<vmem>> -> memref<80x128xf32, #tpu.memory_space<vmem>>
    tpu.wait_dma2 semaphore(%arg11 : memref<!tpu.dma_semaphore, #tpu.memory_space<semaphore_mem>>) src(%dma_wait3A_231 : memref<80x128xf32, #tpu.memory_space<vmem>>) dst(%dma_wait3A_227 : memref<80x128xf32, #tpu.memory_space<vmem_shared>>)
    %dma_wait3A_232 = arith.constant 0 : i32
    %dma_wait3A_233 = arith.constant 0 : i32
    %dma_wait3A_234 = arith.constant 0 : i32
    %dma_wait3A_235 = tpu.memref_slice %arg6[%dma_wait3A_232, %dma_wait3A_233, %dma_wait3A_234] : memref<3x80x128xf32, #tpu.memory_space<vmem>> -> memref<1x80x128xf32, #tpu.memory_space<vmem>>
    %dma_wait3A_236 = tpu.memref_squeeze %dma_wait3A_235 : memref<1x80x128xf32, #tpu.memory_space<vmem>> -> memref<80x128xf32, #tpu.memory_space<vmem>>
    %dma_wait3A_237 = arith.constant 0 : i32
    %dma_wait3A_238 = arith.constant 0 : i32
    %dma_wait3A_239 = tpu.memref_slice %arg7[%dma_wait3A_237, %dma_wait3A_238] : memref<10240x128xf32, #tpu.memory_space<vmem_shared>> -> memref<80x128xf32, #tpu.memory_space<vmem_shared>>
    %dma_wait3A_240 = arith.constant 0 : i32
    %dma_wait3A_241 = arith.constant 0 : i32
    %dma_wait3A_242 = tpu.memref_slice %arg7[%dma_wait3A_240, %dma_wait3A_241] : memref<10240x128xf32, #tpu.memory_space<vmem_shared>> -> memref<80x128xf32, #tpu.memory_space<vmem_shared>>
    %dma_wait3A_243 = arith.constant 0 : i32
    %dma_wait3A_244 = arith.constant 0 : i32
    %dma_wait3A_245 = tpu.memref_slice %arg6[%dma_wait3A_232, %dma_wait3A_243, %dma_wait3A_244] : memref<3x80x128xf32, #tpu.memory_space<vmem>> -> memref<1x80x128xf32, #tpu.memory_space<vmem>>
    %dma_wait3A_246 = tpu.memref_squeeze %dma_wait3A_245 : memref<1x80x128xf32, #tpu.memory_space<vmem>> -> memref<80x128xf32, #tpu.memory_space<vmem>>
    tpu.wait_dma2 semaphore(%arg11 : memref<!tpu.dma_semaphore, #tpu.memory_space<semaphore_mem>>) src(%dma_wait3A_246 : memref<80x128xf32, #tpu.memory_space<vmem>>) dst(%dma_wait3A_242 : memref<80x128xf32, #tpu.memory_space<vmem_shared>>)
    %dma_wait3A_247 = arith.constant 0 : i32
    %dma_wait3A_248 = arith.constant 0 : i32
    %dma_wait3A_249 = arith.constant 0 : i32
    %dma_wait3A_250 = tpu.memref_slice %arg6[%dma_wait3A_247, %dma_wait3A_248, %dma_wait3A_249] : memref<3x80x128xf32, #tpu.memory_space<vmem>> -> memref<1x80x128xf32, #tpu.memory_space<vmem>>
    %dma_wait3A_251 = tpu.memref_squeeze %dma_wait3A_250 : memref<1x80x128xf32, #tpu.memory_space<vmem>> -> memref<80x128xf32, #tpu.memory_space<vmem>>
    %dma_wait3A_252 = arith.constant 0 : i32
    %dma_wait3A_253 = arith.constant 0 : i32
    %dma_wait3A_254 = tpu.memref_slice %arg7[%dma_wait3A_252, %dma_wait3A_253] : memref<10240x128xf32, #tpu.memory_space<vmem_shared>> -> memref<80x128xf32, #tpu.memory_space<vmem_shared>>
    %dma_wait3A_255 = arith.constant 0 : i32
    %dma_wait3A_256 = arith.constant 0 : i32
    %dma_wait3A_257 = tpu.memref_slice %arg7[%dma_wait3A_255, %dma_wait3A_256] : memref<10240x128xf32, #tpu.memory_space<vmem_shared>> -> memref<80x128xf32, #tpu.memory_space<vmem_shared>>
    %dma_wait3A_258 = arith.constant 0 : i32
    %dma_wait3A_259 = arith.constant 0 : i32
    %dma_wait3A_260 = tpu.memref_slice %arg6[%dma_wait3A_247, %dma_wait3A_258, %dma_wait3A_259] : memref<3x80x128xf32, #tpu.memory_space<vmem>> -> memref<1x80x128xf32, #tpu.memory_space<vmem>>
    %dma_wait3A_261 = tpu.memref_squeeze %dma_wait3A_260 : memref<1x80x128xf32, #tpu.memory_space<vmem>> -> memref<80x128xf32, #tpu.memory_space<vmem>>
    tpu.wait_dma2 semaphore(%arg11 : memref<!tpu.dma_semaphore, #tpu.memory_space<semaphore_mem>>) src(%dma_wait3A_261 : memref<80x128xf32, #tpu.memory_space<vmem>>) dst(%dma_wait3A_257 : memref<80x128xf32, #tpu.memory_space<vmem_shared>>)
    %dma_wait3A_262 = arith.constant 0 : i32
    %dma_wait3A_263 = arith.constant 0 : i32
    %dma_wait3A_264 = arith.constant 0 : i32
    %dma_wait3A_265 = tpu.memref_slice %arg6[%dma_wait3A_262, %dma_wait3A_263, %dma_wait3A_264] : memref<3x80x128xf32, #tpu.memory_space<vmem>> -> memref<1x80x128xf32, #tpu.memory_space<vmem>>
    %dma_wait3A_266 = tpu.memref_squeeze %dma_wait3A_265 : memref<1x80x128xf32, #tpu.memory_space<vmem>> -> memref<80x128xf32, #tpu.memory_space<vmem>>
    %dma_wait3A_267 = arith.constant 0 : i32
    %dma_wait3A_268 = arith.constant 0 : i32
    %dma_wait3A_269 = tpu.memref_slice %arg7[%dma_wait3A_267, %dma_wait3A_268] : memref<10240x128xf32, #tpu.memory_space<vmem_shared>> -> memref<80x128xf32, #tpu.memory_space<vmem_shared>>
    %dma_wait3A_270 = arith.constant 0 : i32
    %dma_wait3A_271 = arith.constant 0 : i32
    %dma_wait3A_272 = tpu.memref_slice %arg7[%dma_wait3A_270, %dma_wait3A_271] : memref<10240x128xf32, #tpu.memory_space<vmem_shared>> -> memref<80x128xf32, #tpu.memory_space<vmem_shared>>
    %dma_wait3A_273 = arith.constant 0 : i32
    %dma_wait3A_274 = arith.constant 0 : i32
    %dma_wait3A_275 = tpu.memref_slice %arg6[%dma_wait3A_262, %dma_wait3A_273, %dma_wait3A_274] : memref<3x80x128xf32, #tpu.memory_space<vmem>> -> memref<1x80x128xf32, #tpu.memory_space<vmem>>
    %dma_wait3A_276 = tpu.memref_squeeze %dma_wait3A_275 : memref<1x80x128xf32, #tpu.memory_space<vmem>> -> memref<80x128xf32, #tpu.memory_space<vmem>>
    tpu.wait_dma2 semaphore(%arg11 : memref<!tpu.dma_semaphore, #tpu.memory_space<semaphore_mem>>) src(%dma_wait3A_276 : memref<80x128xf32, #tpu.memory_space<vmem>>) dst(%dma_wait3A_272 : memref<80x128xf32, #tpu.memory_space<vmem_shared>>)
    %dma_wait3A_277 = arith.constant 0 : i32
    %dma_wait3A_278 = arith.constant 0 : i32
    %dma_wait3A_279 = arith.constant 0 : i32
    %dma_wait3A_280 = tpu.memref_slice %arg6[%dma_wait3A_277, %dma_wait3A_278, %dma_wait3A_279] : memref<3x80x128xf32, #tpu.memory_space<vmem>> -> memref<1x80x128xf32, #tpu.memory_space<vmem>>
    %dma_wait3A_281 = tpu.memref_squeeze %dma_wait3A_280 : memref<1x80x128xf32, #tpu.memory_space<vmem>> -> memref<80x128xf32, #tpu.memory_space<vmem>>
    %dma_wait3A_282 = arith.constant 0 : i32
    %dma_wait3A_283 = arith.constant 0 : i32
    %dma_wait3A_284 = tpu.memref_slice %arg7[%dma_wait3A_282, %dma_wait3A_283] : memref<10240x128xf32, #tpu.memory_space<vmem_shared>> -> memref<80x128xf32, #tpu.memory_space<vmem_shared>>
    %dma_wait3A_285 = arith.constant 0 : i32
    %dma_wait3A_286 = arith.constant 0 : i32
    %dma_wait3A_287 = tpu.memref_slice %arg7[%dma_wait3A_285, %dma_wait3A_286] : memref<10240x128xf32, #tpu.memory_space<vmem_shared>> -> memref<80x128xf32, #tpu.memory_space<vmem_shared>>
    %dma_wait3A_288 = arith.constant 0 : i32
    %dma_wait3A_289 = arith.constant 0 : i32
    %dma_wait3A_290 = tpu.memref_slice %arg6[%dma_wait3A_277, %dma_wait3A_288, %dma_wait3A_289] : memref<3x80x128xf32, #tpu.memory_space<vmem>> -> memref<1x80x128xf32, #tpu.memory_space<vmem>>
    %dma_wait3A_291 = tpu.memref_squeeze %dma_wait3A_290 : memref<1x80x128xf32, #tpu.memory_space<vmem>> -> memref<80x128xf32, #tpu.memory_space<vmem>>
    tpu.wait_dma2 semaphore(%arg11 : memref<!tpu.dma_semaphore, #tpu.memory_space<semaphore_mem>>) src(%dma_wait3A_291 : memref<80x128xf32, #tpu.memory_space<vmem>>) dst(%dma_wait3A_287 : memref<80x128xf32, #tpu.memory_space<vmem_shared>>)
    %dma_start3A_292 = arith.constant 0 : i32
    %dma_start3A_293 = arith.constant 0 : i32
    %dma_start3A_294 = arith.constant 0 : i32
    %dma_start3A_295 = tpu.memref_slice %arg6[%dma_start3A_292, %dma_start3A_293, %dma_start3A_294] : memref<3x80x128xf32, #tpu.memory_space<vmem>> -> memref<1x80x128xf32, #tpu.memory_space<vmem>>
    %dma_start3A_296 = tpu.memref_squeeze %dma_start3A_295 : memref<1x80x128xf32, #tpu.memory_space<vmem>> -> memref<80x128xf32, #tpu.memory_space<vmem>>
    %dma_start3A_297 = arith.constant 0 : i32
    %dma_start3A_298 = tpu.memref_slice %arg2[%mul3A_2, %dma_start3A_297] : memref<320000x128xf32, #tpu.memory_space<hbm>> -> memref<80x128xf32, #tpu.memory_space<hbm>>
    %dma_start3A_299 = arith.constant 0 : i32
    %dma_start3A_300 = arith.constant 0 : i32
    %dma_start3A_301 = tpu.memref_slice %arg6[%dma_start3A_292, %dma_start3A_299, %dma_start3A_300] : memref<3x80x128xf32, #tpu.memory_space<vmem>> -> memref<1x80x128xf32, #tpu.memory_space<vmem>>
    %dma_start3A_302 = tpu.memref_squeeze %dma_start3A_301 : memref<1x80x128xf32, #tpu.memory_space<vmem>> -> memref<80x128xf32, #tpu.memory_space<vmem>>
    %dma_start3A_303 = arith.constant 0 : i32
    %dma_start3A_304 = tpu.memref_slice %arg2[%mul3A_2, %dma_start3A_303] : memref<320000x128xf32, #tpu.memory_space<hbm>> -> memref<80x128xf32, #tpu.memory_space<hbm>>
    tpu.enqueue_dma source(%dma_start3A_304 : memref<80x128xf32, #tpu.memory_space<hbm>>) target(%dma_start3A_302 : memref<80x128xf32, #tpu.memory_space<vmem>>) target_semaphore(%arg8 : memref<!tpu.dma_semaphore, #tpu.memory_space<semaphore_mem>>)
    %barrier3A = arith.constant 0 : index
    tpu.barrier barrier_id(%barrier3A)
    %scan3A_305 = arith.constant 0 : i32
    %scan3A_306 = arith.constant 40 : i32
    %scan3A_307 = arith.addi %scan3A_305, %scan3A_306 : i32
    %scan3A_308 = arith.constant 1 : i32
    scf.for %scan3A_429 = %scan3A_305 to %scan3A_307 step %scan3A_308  : i32 {
      %mul3A_430 = arith.constant 3 : i32
      %mul3A_431 = arith.muli %scan3A_429, %mul3A_430 : i32
      %add3A_432 = arith.constant 0 : i32
      %add3A_433 = arith.addi %add3A_432, %mul3A_431 : i32
      %dma_wait3A_434 = arith.constant 0 : i32
      %dma_wait3A_435 = arith.constant 0 : i32
      %dma_wait3A_436 = arith.constant 0 : i32
      %dma_wait3A_437 = tpu.memref_slice %arg6[%dma_wait3A_434, %dma_wait3A_435, %dma_wait3A_436] : memref<3x80x128xf32, #tpu.memory_space<vmem>> -> memref<1x80x128xf32, #tpu.memory_space<vmem>>
      %dma_wait3A_438 = tpu.memref_squeeze %dma_wait3A_437 : memref<1x80x128xf32, #tpu.memory_space<vmem>> -> memref<80x128xf32, #tpu.memory_space<vmem>>
      %dma_wait3A_439 = arith.constant 0 : i32
      %dma_wait3A_440 = arith.constant 0 : i32
      %dma_wait3A_441 = tpu.memref_slice %arg2[%dma_wait3A_439, %dma_wait3A_440] : memref<320000x128xf32, #tpu.memory_space<hbm>> -> memref<80x128xf32, #tpu.memory_space<hbm>>
      %dma_wait3A_442 = arith.constant 0 : i32
      %dma_wait3A_443 = arith.constant 0 : i32
      %dma_wait3A_444 = tpu.memref_slice %arg6[%dma_wait3A_434, %dma_wait3A_442, %dma_wait3A_443] : memref<3x80x128xf32, #tpu.memory_space<vmem>> -> memref<1x80x128xf32, #tpu.memory_space<vmem>>
      %dma_wait3A_445 = tpu.memref_squeeze %dma_wait3A_444 : memref<1x80x128xf32, #tpu.memory_space<vmem>> -> memref<80x128xf32, #tpu.memory_space<vmem>>
      %dma_wait3A_446 = arith.constant 0 : i32
      %dma_wait3A_447 = arith.constant 0 : i32
      %dma_wait3A_448 = tpu.memref_slice %arg2[%dma_wait3A_446, %dma_wait3A_447] : memref<320000x128xf32, #tpu.memory_space<hbm>> -> memref<80x128xf32, #tpu.memory_space<hbm>>
      tpu.wait_dma2 semaphore(%arg8 : memref<!tpu.dma_semaphore, #tpu.memory_space<semaphore_mem>>) src(%dma_wait3A_448 : memref<80x128xf32, #tpu.memory_space<hbm>>) dst(%dma_wait3A_445 : memref<80x128xf32, #tpu.memory_space<vmem>>)
      %add3A_449 = arith.constant 0 : i32
      %add3A_450 = arith.addi %add3A_433, %add3A_449 : i32
      %run_scoped3A_451 = arith.constant 0 : i32
      "tpu.region"() ({
        %run_scoped3A_548 = tpu.sem_alloc : memref<!tpu.dma_semaphore, #tpu.memory_space<semaphore_mem>>
        %dma_start3A_549 = arith.constant 0 : i32
        %dma_start3A_550 = arith.constant 0 : i32
        %dma_start3A_551 = tpu.memref_slice %arg6[%run_scoped3A_451, %dma_start3A_549, %dma_start3A_550] : memref<3x80x128xf32, #tpu.memory_space<vmem>> -> memref<1x80x128xf32, #tpu.memory_space<vmem>>
        %dma_start3A_552 = tpu.memref_squeeze %dma_start3A_551 : memref<1x80x128xf32, #tpu.memory_space<vmem>> -> memref<80x128xf32, #tpu.memory_space<vmem>>
        %dma_start3A_553 = arith.constant 0 : i32
        %dma_start3A_554 = tpu.memref_slice %arg5[%add3A_450, %dma_start3A_553] : memref<125x80xi32, #tpu.memory_space<vmem>> -> memref<1x80xi32, #tpu.memory_space<vmem>>
        %dma_start3A_555 = tpu.memref_squeeze %dma_start3A_554 : memref<1x80xi32, #tpu.memory_space<vmem>> -> memref<80xi32, #tpu.memory_space<vmem>>
        %dma_start3A_556 = arith.constant 0 : i32
        %dma_start3A_557 = arith.constant 0 : i32
        %dma_start3A_558 = tpu.memref_slice %arg7[%dma_start3A_556, %dma_start3A_557] : memref<10240x128xf32, #tpu.memory_space<vmem_shared>> -> memref<10240x128xf32, #tpu.memory_space<vmem_shared>>
        tpu.enqueue_indirect_dma source(%dma_start3A_552 : memref<80x128xf32, #tpu.memory_space<vmem>>) target(%dma_start3A_558 : memref<10240x128xf32, #tpu.memory_space<vmem_shared>>) offsets(%dma_start3A_555 : memref<80xi32, #tpu.memory_space<vmem>>) semaphore(%run_scoped3A_548 : memref<!tpu.dma_semaphore, #tpu.memory_space<semaphore_mem>>) {add = true}
        %dma_wait3A_559 = arith.constant 0 : i32
        %dma_wait3A_560 = arith.constant 0 : i32
        %dma_wait3A_561 = tpu.memref_slice %arg6[%run_scoped3A_451, %dma_wait3A_559, %dma_wait3A_560] : memref<3x80x128xf32, #tpu.memory_space<vmem>> -> memref<1x80x128xf32, #tpu.memory_space<vmem>>
        %dma_wait3A_562 = tpu.memref_squeeze %dma_wait3A_561 : memref<1x80x128xf32, #tpu.memory_space<vmem>> -> memref<80x128xf32, #tpu.memory_space<vmem>>
        %dma_wait3A_563 = arith.constant 0 : i32
        %dma_wait3A_564 = tpu.memref_slice %arg5[%add3A_450, %dma_wait3A_563] : memref<125x80xi32, #tpu.memory_space<vmem>> -> memref<1x80xi32, #tpu.memory_space<vmem>>
        %dma_wait3A_565 = tpu.memref_squeeze %dma_wait3A_564 : memref<1x80xi32, #tpu.memory_space<vmem>> -> memref<80xi32, #tpu.memory_space<vmem>>
        %dma_wait3A_566 = arith.constant 0 : i32
        %dma_wait3A_567 = arith.constant 0 : i32
        %dma_wait3A_568 = tpu.memref_slice %arg7[%dma_wait3A_566, %dma_wait3A_567] : memref<10240x128xf32, #tpu.memory_space<vmem_shared>> -> memref<10240x128xf32, #tpu.memory_space<vmem_shared>>
        tpu.wait_indirect_dma semaphore(%run_scoped3A_548 : memref<!tpu.dma_semaphore, #tpu.memory_space<semaphore_mem>>) src(%dma_wait3A_562 : memref<80x128xf32, #tpu.memory_space<vmem>>) dst(%dma_wait3A_568 : memref<10240x128xf32, #tpu.memory_space<vmem_shared>>)
        tpu.yield
      }) : () -> ()
      %add3A_452 = arith.constant 0 : i32
      %add3A_453 = arith.addi %add3A_433, %add3A_452 : i32
      %add3A_454 = arith.constant 3 : i32
      %add3A_455 = arith.addi %add3A_453, %add3A_454 : i32
      %mul3A_456 = arith.constant 80 : i32
      %mul3A_457 = arith.muli %add3A_455, %mul3A_456 : i32
      %add3A_458 = arith.addi %mul3A_2, %mul3A_457 : i32
      %dma_start3A_459 = arith.constant 0 : i32
      %dma_start3A_460 = arith.constant 0 : i32
      %dma_start3A_461 = arith.constant 0 : i32
      %dma_start3A_462 = tpu.memref_slice %arg6[%dma_start3A_459, %dma_start3A_460, %dma_start3A_461] : memref<3x80x128xf32, #tpu.memory_space<vmem>> -> memref<1x80x128xf32, #tpu.memory_space<vmem>>
      %dma_start3A_463 = tpu.memref_squeeze %dma_start3A_462 : memref<1x80x128xf32, #tpu.memory_space<vmem>> -> memref<80x128xf32, #tpu.memory_space<vmem>>
      %dma_start3A_464 = arith.constant 0 : i32
      %dma_start3A_465 = tpu.memref_slice %arg2[%add3A_458, %dma_start3A_464] : memref<320000x128xf32, #tpu.memory_space<hbm>> -> memref<80x128xf32, #tpu.memory_space<hbm>>
      %dma_start3A_466 = arith.constant 0 : i32
      %dma_start3A_467 = arith.constant 0 : i32
      %dma_start3A_468 = tpu.memref_slice %arg6[%dma_start3A_459, %dma_start3A_466, %dma_start3A_467] : memref<3x80x128xf32, #tpu.memory_space<vmem>> -> memref<1x80x128xf32, #tpu.memory_space<vmem>>
      %dma_start3A_469 = tpu.memref_squeeze %dma_start3A_468 : memref<1x80x128xf32, #tpu.memory_space<vmem>> -> memref<80x128xf32, #tpu.memory_space<vmem>>
      %dma_start3A_470 = arith.constant 0 : i32
      %dma_start3A_471 = tpu.memref_slice %arg2[%add3A_458, %dma_start3A_470] : memref<320000x128xf32, #tpu.memory_space<hbm>> -> memref<80x128xf32, #tpu.memory_space<hbm>>
      tpu.enqueue_dma source(%dma_start3A_471 : memref<80x128xf32, #tpu.memory_space<hbm>>) target(%dma_start3A_469 : memref<80x128xf32, #tpu.memory_space<vmem>>) target_semaphore(%arg8 : memref<!tpu.dma_semaphore, #tpu.memory_space<semaphore_mem>>)
      %dma_wait3A_472 = arith.constant 1 : i32
      %dma_wait3A_473 = arith.constant 0 : i32
      %dma_wait3A_474 = arith.constant 0 : i32
      %dma_wait3A_475 = tpu.memref_slice %arg6[%dma_wait3A_472, %dma_wait3A_473, %dma_wait3A_474] : memref<3x80x128xf32, #tpu.memory_space<vmem>> -> memref<1x80x128xf32, #tpu.memory_space<vmem>>
      %dma_wait3A_476 = tpu.memref_squeeze %dma_wait3A_475 : memref<1x80x128xf32, #tpu.memory_space<vmem>> -> memref<80x128xf32, #tpu.memory_space<vmem>>
      %dma_wait3A_477 = arith.constant 0 : i32
      %dma_wait3A_478 = arith.constant 0 : i32
      %dma_wait3A_479 = tpu.memref_slice %arg2[%dma_wait3A_477, %dma_wait3A_478] : memref<320000x128xf32, #tpu.memory_space<hbm>> -> memref<80x128xf32, #tpu.memory_space<hbm>>
      %dma_wait3A_480 = arith.constant 0 : i32
      %dma_wait3A_481 = arith.constant 0 : i32
      %dma_wait3A_482 = tpu.memref_slice %arg6[%dma_wait3A_472, %dma_wait3A_480, %dma_wait3A_481] : memref<3x80x128xf32, #tpu.memory_space<vmem>> -> memref<1x80x128xf32, #tpu.memory_space<vmem>>
      %dma_wait3A_483 = tpu.memref_squeeze %dma_wait3A_482 : memref<1x80x128xf32, #tpu.memory_space<vmem>> -> memref<80x128xf32, #tpu.memory_space<vmem>>
      %dma_wait3A_484 = arith.constant 0 : i32
      %dma_wait3A_485 = arith.constant 0 : i32
      %dma_wait3A_486 = tpu.memref_slice %arg2[%dma_wait3A_484, %dma_wait3A_485] : memref<320000x128xf32, #tpu.memory_space<hbm>> -> memref<80x128xf32, #tpu.memory_space<hbm>>
      tpu.wait_dma2 semaphore(%arg9 : memref<!tpu.dma_semaphore, #tpu.memory_space<semaphore_mem>>) src(%dma_wait3A_486 : memref<80x128xf32, #tpu.memory_space<hbm>>) dst(%dma_wait3A_483 : memref<80x128xf32, #tpu.memory_space<vmem>>)
      %add3A_487 = arith.constant 1 : i32
      %add3A_488 = arith.addi %add3A_433, %add3A_487 : i32
      %run_scoped3A_489 = arith.constant 1 : i32
      "tpu.region"() ({
        %run_scoped3A_548 = tpu.sem_alloc : memref<!tpu.dma_semaphore, #tpu.memory_space<semaphore_mem>>
        %dma_start3A_549 = arith.constant 0 : i32
        %dma_start3A_550 = arith.constant 0 : i32
        %dma_start3A_551 = tpu.memref_slice %arg6[%run_scoped3A_489, %dma_start3A_549, %dma_start3A_550] : memref<3x80x128xf32, #tpu.memory_space<vmem>> -> memref<1x80x128xf32, #tpu.memory_space<vmem>>
        %dma_start3A_552 = tpu.memref_squeeze %dma_start3A_551 : memref<1x80x128xf32, #tpu.memory_space<vmem>> -> memref<80x128xf32, #tpu.memory_space<vmem>>
        %dma_start3A_553 = arith.constant 0 : i32
        %dma_start3A_554 = tpu.memref_slice %arg5[%add3A_488, %dma_start3A_553] : memref<125x80xi32, #tpu.memory_space<vmem>> -> memref<1x80xi32, #tpu.memory_space<vmem>>
        %dma_start3A_555 = tpu.memref_squeeze %dma_start3A_554 : memref<1x80xi32, #tpu.memory_space<vmem>> -> memref<80xi32, #tpu.memory_space<vmem>>
        %dma_start3A_556 = arith.constant 0 : i32
        %dma_start3A_557 = arith.constant 0 : i32
        %dma_start3A_558 = tpu.memref_slice %arg7[%dma_start3A_556, %dma_start3A_557] : memref<10240x128xf32, #tpu.memory_space<vmem_shared>> -> memref<10240x128xf32, #tpu.memory_space<vmem_shared>>
        tpu.enqueue_indirect_dma source(%dma_start3A_552 : memref<80x128xf32, #tpu.memory_space<vmem>>) target(%dma_start3A_558 : memref<10240x128xf32, #tpu.memory_space<vmem_shared>>) offsets(%dma_start3A_555 : memref<80xi32, #tpu.memory_space<vmem>>) semaphore(%run_scoped3A_548 : memref<!tpu.dma_semaphore, #tpu.memory_space<semaphore_mem>>) {add = true}
        %dma_wait3A_559 = arith.constant 0 : i32
        %dma_wait3A_560 = arith.constant 0 : i32
        %dma_wait3A_561 = tpu.memref_slice %arg6[%run_scoped3A_489, %dma_wait3A_559, %dma_wait3A_560] : memref<3x80x128xf32, #tpu.memory_space<vmem>> -> memref<1x80x128xf32, #tpu.memory_space<vmem>>
        %dma_wait3A_562 = tpu.memref_squeeze %dma_wait3A_561 : memref<1x80x128xf32, #tpu.memory_space<vmem>> -> memref<80x128xf32, #tpu.memory_space<vmem>>
        %dma_wait3A_563 = arith.constant 0 : i32
        %dma_wait3A_564 = tpu.memref_slice %arg5[%add3A_488, %dma_wait3A_563] : memref<125x80xi32, #tpu.memory_space<vmem>> -> memref<1x80xi32, #tpu.memory_space<vmem>>
        %dma_wait3A_565 = tpu.memref_squeeze %dma_wait3A_564 : memref<1x80xi32, #tpu.memory_space<vmem>> -> memref<80xi32, #tpu.memory_space<vmem>>
        %dma_wait3A_566 = arith.constant 0 : i32
        %dma_wait3A_567 = arith.constant 0 : i32
        %dma_wait3A_568 = tpu.memref_slice %arg7[%dma_wait3A_566, %dma_wait3A_567] : memref<10240x128xf32, #tpu.memory_space<vmem_shared>> -> memref<10240x128xf32, #tpu.memory_space<vmem_shared>>
        tpu.wait_indirect_dma semaphore(%run_scoped3A_548 : memref<!tpu.dma_semaphore, #tpu.memory_space<semaphore_mem>>) src(%dma_wait3A_562 : memref<80x128xf32, #tpu.memory_space<vmem>>) dst(%dma_wait3A_568 : memref<10240x128xf32, #tpu.memory_space<vmem_shared>>)
        tpu.yield
      }) : () -> ()
      %add3A_490 = arith.constant 1 : i32
      %add3A_491 = arith.addi %add3A_433, %add3A_490 : i32
      %add3A_492 = arith.constant 3 : i32
      %add3A_493 = arith.addi %add3A_491, %add3A_492 : i32
      %mul3A_494 = arith.constant 80 : i32
      %mul3A_495 = arith.muli %add3A_493, %mul3A_494 : i32
      %add3A_496 = arith.addi %mul3A_2, %mul3A_495 : i32
      %dma_start3A_497 = arith.constant 1 : i32
      %dma_start3A_498 = arith.constant 0 : i32
      %dma_start3A_499 = arith.constant 0 : i32
      %dma_start3A_500 = tpu.memref_slice %arg6[%dma_start3A_497, %dma_start3A_498, %dma_start3A_499] : memref<3x80x128xf32, #tpu.memory_space<vmem>> -> memref<1x80x128xf32, #tpu.memory_space<vmem>>
      %dma_start3A_501 = tpu.memref_squeeze %dma_start3A_500 : memref<1x80x128xf32, #tpu.memory_space<vmem>> -> memref<80x128xf32, #tpu.memory_space<vmem>>
      %dma_start3A_502 = arith.constant 0 : i32
      %dma_start3A_503 = tpu.memref_slice %arg2[%add3A_496, %dma_start3A_502] : memref<320000x128xf32, #tpu.memory_space<hbm>> -> memref<80x128xf32, #tpu.memory_space<hbm>>
      %dma_start3A_504 = arith.constant 0 : i32
      %dma_start3A_505 = arith.constant 0 : i32
      %dma_start3A_506 = tpu.memref_slice %arg6[%dma_start3A_497, %dma_start3A_504, %dma_start3A_505] : memref<3x80x128xf32, #tpu.memory_space<vmem>> -> memref<1x80x128xf32, #tpu.memory_space<vmem>>
      %dma_start3A_507 = tpu.memref_squeeze %dma_start3A_506 : memref<1x80x128xf32, #tpu.memory_space<vmem>> -> memref<80x128xf32, #tpu.memory_space<vmem>>
      %dma_start3A_508 = arith.constant 0 : i32
      %dma_start3A_509 = tpu.memref_slice %arg2[%add3A_496, %dma_start3A_508] : memref<320000x128xf32, #tpu.memory_space<hbm>> -> memref<80x128xf32, #tpu.memory_space<hbm>>
      tpu.enqueue_dma source(%dma_start3A_509 : memref<80x128xf32, #tpu.memory_space<hbm>>) target(%dma_start3A_507 : memref<80x128xf32, #tpu.memory_space<vmem>>) target_semaphore(%arg9 : memref<!tpu.dma_semaphore, #tpu.memory_space<semaphore_mem>>)
      %dma_wait3A_510 = arith.constant 2 : i32
      %dma_wait3A_511 = arith.constant 0 : i32
      %dma_wait3A_512 = arith.constant 0 : i32
      %dma_wait3A_513 = tpu.memref_slice %arg6[%dma_wait3A_510, %dma_wait3A_511, %dma_wait3A_512] : memref<3x80x128xf32, #tpu.memory_space<vmem>> -> memref<1x80x128xf32, #tpu.memory_space<vmem>>
      %dma_wait3A_514 = tpu.memref_squeeze %dma_wait3A_513 : memref<1x80x128xf32, #tpu.memory_space<vmem>> -> memref<80x128xf32, #tpu.memory_space<vmem>>
      %dma_wait3A_515 = arith.constant 0 : i32
      %dma_wait3A_516 = arith.constant 0 : i32
      %dma_wait3A_517 = tpu.memref_slice %arg2[%dma_wait3A_515, %dma_wait3A_516] : memref<320000x128xf32, #tpu.memory_space<hbm>> -> memref<80x128xf32, #tpu.memory_space<hbm>>
      %dma_wait3A_518 = arith.constant 0 : i32
      %dma_wait3A_519 = arith.constant 0 : i32
      %dma_wait3A_520 = tpu.memref_slice %arg6[%dma_wait3A_510, %dma_wait3A_518, %dma_wait3A_519] : memref<3x80x128xf32, #tpu.memory_space<vmem>> -> memref<1x80x128xf32, #tpu.memory_space<vmem>>
      %dma_wait3A_521 = tpu.memref_squeeze %dma_wait3A_520 : memref<1x80x128xf32, #tpu.memory_space<vmem>> -> memref<80x128xf32, #tpu.memory_space<vmem>>
      %dma_wait3A_522 = arith.constant 0 : i32
      %dma_wait3A_523 = arith.constant 0 : i32
      %dma_wait3A_524 = tpu.memref_slice %arg2[%dma_wait3A_522, %dma_wait3A_523] : memref<320000x128xf32, #tpu.memory_space<hbm>> -> memref<80x128xf32, #tpu.memory_space<hbm>>
      tpu.wait_dma2 semaphore(%arg10 : memref<!tpu.dma_semaphore, #tpu.memory_space<semaphore_mem>>) src(%dma_wait3A_524 : memref<80x128xf32, #tpu.memory_space<hbm>>) dst(%dma_wait3A_521 : memref<80x128xf32, #tpu.memory_space<vmem>>)
      %add3A_525 = arith.constant 2 : i32
      %add3A_526 = arith.addi %add3A_433, %add3A_525 : i32
      %run_scoped3A_527 = arith.constant 2 : i32
      "tpu.region"() ({
        %run_scoped3A_548 = tpu.sem_alloc : memref<!tpu.dma_semaphore, #tpu.memory_space<semaphore_mem>>
        %dma_start3A_549 = arith.constant 0 : i32
        %dma_start3A_550 = arith.constant 0 : i32
        %dma_start3A_551 = tpu.memref_slice %arg6[%run_scoped3A_527, %dma_start3A_549, %dma_start3A_550] : memref<3x80x128xf32, #tpu.memory_space<vmem>> -> memref<1x80x128xf32, #tpu.memory_space<vmem>>
        %dma_start3A_552 = tpu.memref_squeeze %dma_start3A_551 : memref<1x80x128xf32, #tpu.memory_space<vmem>> -> memref<80x128xf32, #tpu.memory_space<vmem>>
        %dma_start3A_553 = arith.constant 0 : i32
        %dma_start3A_554 = tpu.memref_slice %arg5[%add3A_526, %dma_start3A_553] : memref<125x80xi32, #tpu.memory_space<vmem>> -> memref<1x80xi32, #tpu.memory_space<vmem>>
        %dma_start3A_555 = tpu.memref_squeeze %dma_start3A_554 : memref<1x80xi32, #tpu.memory_space<vmem>> -> memref<80xi32, #tpu.memory_space<vmem>>
        %dma_start3A_556 = arith.constant 0 : i32
        %dma_start3A_557 = arith.constant 0 : i32
        %dma_start3A_558 = tpu.memref_slice %arg7[%dma_start3A_556, %dma_start3A_557] : memref<10240x128xf32, #tpu.memory_space<vmem_shared>> -> memref<10240x128xf32, #tpu.memory_space<vmem_shared>>
        tpu.enqueue_indirect_dma source(%dma_start3A_552 : memref<80x128xf32, #tpu.memory_space<vmem>>) target(%dma_start3A_558 : memref<10240x128xf32, #tpu.memory_space<vmem_shared>>) offsets(%dma_start3A_555 : memref<80xi32, #tpu.memory_space<vmem>>) semaphore(%run_scoped3A_548 : memref<!tpu.dma_semaphore, #tpu.memory_space<semaphore_mem>>) {add = true}
        %dma_wait3A_559 = arith.constant 0 : i32
        %dma_wait3A_560 = arith.constant 0 : i32
        %dma_wait3A_561 = tpu.memref_slice %arg6[%run_scoped3A_527, %dma_wait3A_559, %dma_wait3A_560] : memref<3x80x128xf32, #tpu.memory_space<vmem>> -> memref<1x80x128xf32, #tpu.memory_space<vmem>>
        %dma_wait3A_562 = tpu.memref_squeeze %dma_wait3A_561 : memref<1x80x128xf32, #tpu.memory_space<vmem>> -> memref<80x128xf32, #tpu.memory_space<vmem>>
        %dma_wait3A_563 = arith.constant 0 : i32
        %dma_wait3A_564 = tpu.memref_slice %arg5[%add3A_526, %dma_wait3A_563] : memref<125x80xi32, #tpu.memory_space<vmem>> -> memref<1x80xi32, #tpu.memory_space<vmem>>
        %dma_wait3A_565 = tpu.memref_squeeze %dma_wait3A_564 : memref<1x80xi32, #tpu.memory_space<vmem>> -> memref<80xi32, #tpu.memory_space<vmem>>
        %dma_wait3A_566 = arith.constant 0 : i32
        %dma_wait3A_567 = arith.constant 0 : i32
        %dma_wait3A_568 = tpu.memref_slice %arg7[%dma_wait3A_566, %dma_wait3A_567] : memref<10240x128xf32, #tpu.memory_space<vmem_shared>> -> memref<10240x128xf32, #tpu.memory_space<vmem_shared>>
        tpu.wait_indirect_dma semaphore(%run_scoped3A_548 : memref<!tpu.dma_semaphore, #tpu.memory_space<semaphore_mem>>) src(%dma_wait3A_562 : memref<80x128xf32, #tpu.memory_space<vmem>>) dst(%dma_wait3A_568 : memref<10240x128xf32, #tpu.memory_space<vmem_shared>>)
        tpu.yield
      }) : () -> ()
      %add3A_528 = arith.constant 2 : i32
      %add3A_529 = arith.addi %add3A_433, %add3A_528 : i32
      %add3A_530 = arith.constant 3 : i32
      %add3A_531 = arith.addi %add3A_529, %add3A_530 : i32
      %mul3A_532 = arith.constant 80 : i32
      %mul3A_533 = arith.muli %add3A_531, %mul3A_532 : i32
      %add3A_534 = arith.addi %mul3A_2, %mul3A_533 : i32
      %dma_start3A_535 = arith.constant 2 : i32
      %dma_start3A_536 = arith.constant 0 : i32
      %dma_start3A_537 = arith.constant 0 : i32
      %dma_start3A_538 = tpu.memref_slice %arg6[%dma_start3A_535, %dma_start3A_536, %dma_start3A_537] : memref<3x80x128xf32, #tpu.memory_space<vmem>> -> memref<1x80x128xf32, #tpu.memory_space<vmem>>
      %dma_start3A_539 = tpu.memref_squeeze %dma_start3A_538 : memref<1x80x128xf32, #tpu.memory_space<vmem>> -> memref<80x128xf32, #tpu.memory_space<vmem>>
      %dma_start3A_540 = arith.constant 0 : i32
      %dma_start3A_541 = tpu.memref_slice %arg2[%add3A_534, %dma_start3A_540] : memref<320000x128xf32, #tpu.memory_space<hbm>> -> memref<80x128xf32, #tpu.memory_space<hbm>>
      %dma_start3A_542 = arith.constant 0 : i32
      %dma_start3A_543 = arith.constant 0 : i32
      %dma_start3A_544 = tpu.memref_slice %arg6[%dma_start3A_535, %dma_start3A_542, %dma_start3A_543] : memref<3x80x128xf32, #tpu.memory_space<vmem>> -> memref<1x80x128xf32, #tpu.memory_space<vmem>>
      %dma_start3A_545 = tpu.memref_squeeze %dma_start3A_544 : memref<1x80x128xf32, #tpu.memory_space<vmem>> -> memref<80x128xf32, #tpu.memory_space<vmem>>
      %dma_start3A_546 = arith.constant 0 : i32
      %dma_start3A_547 = tpu.memref_slice %arg2[%add3A_534, %dma_start3A_546] : memref<320000x128xf32, #tpu.memory_space<hbm>> -> memref<80x128xf32, #tpu.memory_space<hbm>>
      tpu.enqueue_dma source(%dma_start3A_547 : memref<80x128xf32, #tpu.memory_space<hbm>>) target(%dma_start3A_545 : memref<80x128xf32, #tpu.memory_space<vmem>>) target_semaphore(%arg10 : memref<!tpu.dma_semaphore, #tpu.memory_space<semaphore_mem>>)
    }
    %scan3A_309 = arith.constant 40 : i32
    %dma_wait3A_310 = arith.constant 0 : i32
    %dma_wait3A_311 = arith.constant 0 : i32
    %dma_wait3A_312 = arith.constant 0 : i32
    %dma_wait3A_313 = tpu.memref_slice %arg6[%dma_wait3A_310, %dma_wait3A_311, %dma_wait3A_312] : memref<3x80x128xf32, #tpu.memory_space<vmem>> -> memref<1x80x128xf32, #tpu.memory_space<vmem>>
    %dma_wait3A_314 = tpu.memref_squeeze %dma_wait3A_313 : memref<1x80x128xf32, #tpu.memory_space<vmem>> -> memref<80x128xf32, #tpu.memory_space<vmem>>
    %dma_wait3A_315 = arith.constant 0 : i32
    %dma_wait3A_316 = arith.constant 0 : i32
    %dma_wait3A_317 = tpu.memref_slice %arg2[%dma_wait3A_315, %dma_wait3A_316] : memref<320000x128xf32, #tpu.memory_space<hbm>> -> memref<80x128xf32, #tpu.memory_space<hbm>>
    %dma_wait3A_318 = arith.constant 0 : i32
    %dma_wait3A_319 = arith.constant 0 : i32
    %dma_wait3A_320 = tpu.memref_slice %arg6[%dma_wait3A_310, %dma_wait3A_318, %dma_wait3A_319] : memref<3x80x128xf32, #tpu.memory_space<vmem>> -> memref<1x80x128xf32, #tpu.memory_space<vmem>>
    %dma_wait3A_321 = tpu.memref_squeeze %dma_wait3A_320 : memref<1x80x128xf32, #tpu.memory_space<vmem>> -> memref<80x128xf32, #tpu.memory_space<vmem>>
    %dma_wait3A_322 = arith.constant 0 : i32
    %dma_wait3A_323 = arith.constant 0 : i32
    %dma_wait3A_324 = tpu.memref_slice %arg2[%dma_wait3A_322, %dma_wait3A_323] : memref<320000x128xf32, #tpu.memory_space<hbm>> -> memref<80x128xf32, #tpu.memory_space<hbm>>
    tpu.wait_dma2 semaphore(%arg8 : memref<!tpu.dma_semaphore, #tpu.memory_space<semaphore_mem>>) src(%dma_wait3A_324 : memref<80x128xf32, #tpu.memory_space<hbm>>) dst(%dma_wait3A_321 : memref<80x128xf32, #tpu.memory_space<vmem>>)
    %run_scoped3A = arith.constant 0 : i32
    %run_scoped3A_325 = arith.constant 120 : i32
    "tpu.region"() ({
      %run_scoped3A_429 = tpu.sem_alloc : memref<!tpu.dma_semaphore, #tpu.memory_space<semaphore_mem>>
      %dma_start3A_430 = arith.constant 0 : i32
      %dma_start3A_431 = arith.constant 0 : i32
      %dma_start3A_432 = tpu.memref_slice %arg6[%run_scoped3A, %dma_start3A_430, %dma_start3A_431] : memref<3x80x128xf32, #tpu.memory_space<vmem>> -> memref<1x80x128xf32, #tpu.memory_space<vmem>>
      %dma_start3A_433 = tpu.memref_squeeze %dma_start3A_432 : memref<1x80x128xf32, #tpu.memory_space<vmem>> -> memref<80x128xf32, #tpu.memory_space<vmem>>
      %dma_start3A_434 = arith.constant 0 : i32
      %dma_start3A_435 = tpu.memref_slice %arg5[%run_scoped3A_325, %dma_start3A_434] : memref<125x80xi32, #tpu.memory_space<vmem>> -> memref<1x80xi32, #tpu.memory_space<vmem>>
      %dma_start3A_436 = tpu.memref_squeeze %dma_start3A_435 : memref<1x80xi32, #tpu.memory_space<vmem>> -> memref<80xi32, #tpu.memory_space<vmem>>
      %dma_start3A_437 = arith.constant 0 : i32
      %dma_start3A_438 = arith.constant 0 : i32
      %dma_start3A_439 = tpu.memref_slice %arg7[%dma_start3A_437, %dma_start3A_438] : memref<10240x128xf32, #tpu.memory_space<vmem_shared>> -> memref<10240x128xf32, #tpu.memory_space<vmem_shared>>
      tpu.enqueue_indirect_dma source(%dma_start3A_433 : memref<80x128xf32, #tpu.memory_space<vmem>>) target(%dma_start3A_439 : memref<10240x128xf32, #tpu.memory_space<vmem_shared>>) offsets(%dma_start3A_436 : memref<80xi32, #tpu.memory_space<vmem>>) semaphore(%run_scoped3A_429 : memref<!tpu.dma_semaphore, #tpu.memory_space<semaphore_mem>>) {add = true}
      %dma_wait3A_440 = arith.constant 0 : i32
      %dma_wait3A_441 = arith.constant 0 : i32
      %dma_wait3A_442 = tpu.memref_slice %arg6[%run_scoped3A, %dma_wait3A_440, %dma_wait3A_441] : memref<3x80x128xf32, #tpu.memory_space<vmem>> -> memref<1x80x128xf32, #tpu.memory_space<vmem>>
      %dma_wait3A_443 = tpu.memref_squeeze %dma_wait3A_442 : memref<1x80x128xf32, #tpu.memory_space<vmem>> -> memref<80x128xf32, #tpu.memory_space<vmem>>
      %dma_wait3A_444 = arith.constant 0 : i32
      %dma_wait3A_445 = tpu.memref_slice %arg5[%run_scoped3A_325, %dma_wait3A_444] : memref<125x80xi32, #tpu.memory_space<vmem>> -> memref<1x80xi32, #tpu.memory_space<vmem>>
      %dma_wait3A_446 = tpu.memref_squeeze %dma_wait3A_445 : memref<1x80xi32, #tpu.memory_space<vmem>> -> memref<80xi32, #tpu.memory_space<vmem>>
      %dma_wait3A_447 = arith.constant 0 : i32
      %dma_wait3A_448 = arith.constant 0 : i32
      %dma_wait3A_449 = tpu.memref_slice %arg7[%dma_wait3A_447, %dma_wait3A_448] : memref<10240x128xf32, #tpu.memory_space<vmem_shared>> -> memref<10240x128xf32, #tpu.memory_space<vmem_shared>>
      tpu.wait_indirect_dma semaphore(%run_scoped3A_429 : memref<!tpu.dma_semaphore, #tpu.memory_space<semaphore_mem>>) src(%dma_wait3A_443 : memref<80x128xf32, #tpu.memory_space<vmem>>) dst(%dma_wait3A_449 : memref<10240x128xf32, #tpu.memory_space<vmem_shared>>)
      tpu.yield
    }) : () -> ()
    %add3A_326 = arith.constant 9840 : i32
    %add3A_327 = arith.addi %mul3A_2, %add3A_326 : i32
    %dma_start3A_328 = arith.constant 0 : i32
    %dma_start3A_329 = arith.constant 0 : i32
    %dma_start3A_330 = arith.constant 0 : i32
    %dma_start3A_331 = tpu.memref_slice %arg6[%dma_start3A_328, %dma_start3A_329, %dma_start3A_330] : memref<3x80x128xf32, #tpu.memory_space<vmem>> -> memref<1x80x128xf32, #tpu.memory_space<vmem>>
    %dma_start3A_332 = tpu.memref_squeeze %dma_start3A_331 : memref<1x80x128xf32, #tpu.memory_space<vmem>> -> memref<80x128xf32, #tpu.memory_space<vmem>>
    %dma_start3A_333 = arith.constant 0 : i32
    %dma_start3A_334 = tpu.memref_slice %arg2[%add3A_327, %dma_start3A_333] : memref<320000x128xf32, #tpu.memory_space<hbm>> -> memref<80x128xf32, #tpu.memory_space<hbm>>
    %dma_start3A_335 = arith.constant 0 : i32
    %dma_start3A_336 = arith.constant 0 : i32
    %dma_start3A_337 = tpu.memref_slice %arg6[%dma_start3A_328, %dma_start3A_335, %dma_start3A_336] : memref<3x80x128xf32, #tpu.memory_space<vmem>> -> memref<1x80x128xf32, #tpu.memory_space<vmem>>
    %dma_start3A_338 = tpu.memref_squeeze %dma_start3A_337 : memref<1x80x128xf32, #tpu.memory_space<vmem>> -> memref<80x128xf32, #tpu.memory_space<vmem>>
    %dma_start3A_339 = arith.constant 0 : i32
    %dma_start3A_340 = tpu.memref_slice %arg2[%add3A_327, %dma_start3A_339] : memref<320000x128xf32, #tpu.memory_space<hbm>> -> memref<80x128xf32, #tpu.memory_space<hbm>>
    tpu.enqueue_dma source(%dma_start3A_340 : memref<80x128xf32, #tpu.memory_space<hbm>>) target(%dma_start3A_338 : memref<80x128xf32, #tpu.memory_space<vmem>>) target_semaphore(%arg8 : memref<!tpu.dma_semaphore, #tpu.memory_space<semaphore_mem>>)
    %dma_wait3A_341 = arith.constant 1 : i32
    %dma_wait3A_342 = arith.constant 0 : i32
    %dma_wait3A_343 = arith.constant 0 : i32
    %dma_wait3A_344 = tpu.memref_slice %arg6[%dma_wait3A_341, %dma_wait3A_342, %dma_wait3A_343] : memref<3x80x128xf32, #tpu.memory_space<vmem>> -> memref<1x80x128xf32, #tpu.memory_space<vmem>>
    %dma_wait3A_345 = tpu.memref_squeeze %dma_wait3A_344 : memref<1x80x128xf32, #tpu.memory_space<vmem>> -> memref<80x128xf32, #tpu.memory_space<vmem>>
    %dma_wait3A_346 = arith.constant 0 : i32
    %dma_wait3A_347 = arith.constant 0 : i32
    %dma_wait3A_348 = tpu.memref_slice %arg2[%dma_wait3A_346, %dma_wait3A_347] : memref<320000x128xf32, #tpu.memory_space<hbm>> -> memref<80x128xf32, #tpu.memory_space<hbm>>
    %dma_wait3A_349 = arith.constant 0 : i32
    %dma_wait3A_350 = arith.constant 0 : i32
    %dma_wait3A_351 = tpu.memref_slice %arg6[%dma_wait3A_341, %dma_wait3A_349, %dma_wait3A_350] : memref<3x80x128xf32, #tpu.memory_space<vmem>> -> memref<1x80x128xf32, #tpu.memory_space<vmem>>
    %dma_wait3A_352 = tpu.memref_squeeze %dma_wait3A_351 : memref<1x80x128xf32, #tpu.memory_space<vmem>> -> memref<80x128xf32, #tpu.memory_space<vmem>>
    %dma_wait3A_353 = arith.constant 0 : i32
    %dma_wait3A_354 = arith.constant 0 : i32
    %dma_wait3A_355 = tpu.memref_slice %arg2[%dma_wait3A_353, %dma_wait3A_354] : memref<320000x128xf32, #tpu.memory_space<hbm>> -> memref<80x128xf32, #tpu.memory_space<hbm>>
    tpu.wait_dma2 semaphore(%arg9 : memref<!tpu.dma_semaphore, #tpu.memory_space<semaphore_mem>>) src(%dma_wait3A_355 : memref<80x128xf32, #tpu.memory_space<hbm>>) dst(%dma_wait3A_352 : memref<80x128xf32, #tpu.memory_space<vmem>>)
    %run_scoped3A_356 = arith.constant 1 : i32
    %run_scoped3A_357 = arith.constant 121 : i32
    "tpu.region"() ({
      %run_scoped3A_429 = tpu.sem_alloc : memref<!tpu.dma_semaphore, #tpu.memory_space<semaphore_mem>>
      %dma_start3A_430 = arith.constant 0 : i32
      %dma_start3A_431 = arith.constant 0 : i32
      %dma_start3A_432 = tpu.memref_slice %arg6[%run_scoped3A_356, %dma_start3A_430, %dma_start3A_431] : memref<3x80x128xf32, #tpu.memory_space<vmem>> -> memref<1x80x128xf32, #tpu.memory_space<vmem>>
      %dma_start3A_433 = tpu.memref_squeeze %dma_start3A_432 : memref<1x80x128xf32, #tpu.memory_space<vmem>> -> memref<80x128xf32, #tpu.memory_space<vmem>>
      %dma_start3A_434 = arith.constant 0 : i32
      %dma_start3A_435 = tpu.memref_slice %arg5[%run_scoped3A_357, %dma_start3A_434] : memref<125x80xi32, #tpu.memory_space<vmem>> -> memref<1x80xi32, #tpu.memory_space<vmem>>
      %dma_start3A_436 = tpu.memref_squeeze %dma_start3A_435 : memref<1x80xi32, #tpu.memory_space<vmem>> -> memref<80xi32, #tpu.memory_space<vmem>>
      %dma_start3A_437 = arith.constant 0 : i32
      %dma_start3A_438 = arith.constant 0 : i32
      %dma_start3A_439 = tpu.memref_slice %arg7[%dma_start3A_437, %dma_start3A_438] : memref<10240x128xf32, #tpu.memory_space<vmem_shared>> -> memref<10240x128xf32, #tpu.memory_space<vmem_shared>>
      tpu.enqueue_indirect_dma source(%dma_start3A_433 : memref<80x128xf32, #tpu.memory_space<vmem>>) target(%dma_start3A_439 : memref<10240x128xf32, #tpu.memory_space<vmem_shared>>) offsets(%dma_start3A_436 : memref<80xi32, #tpu.memory_space<vmem>>) semaphore(%run_scoped3A_429 : memref<!tpu.dma_semaphore, #tpu.memory_space<semaphore_mem>>) {add = true}
      %dma_wait3A_440 = arith.constant 0 : i32
      %dma_wait3A_441 = arith.constant 0 : i32
      %dma_wait3A_442 = tpu.memref_slice %arg6[%run_scoped3A_356, %dma_wait3A_440, %dma_wait3A_441] : memref<3x80x128xf32, #tpu.memory_space<vmem>> -> memref<1x80x128xf32, #tpu.memory_space<vmem>>
      %dma_wait3A_443 = tpu.memref_squeeze %dma_wait3A_442 : memref<1x80x128xf32, #tpu.memory_space<vmem>> -> memref<80x128xf32, #tpu.memory_space<vmem>>
      %dma_wait3A_444 = arith.constant 0 : i32
      %dma_wait3A_445 = tpu.memref_slice %arg5[%run_scoped3A_357, %dma_wait3A_444] : memref<125x80xi32, #tpu.memory_space<vmem>> -> memref<1x80xi32, #tpu.memory_space<vmem>>
      %dma_wait3A_446 = tpu.memref_squeeze %dma_wait3A_445 : memref<1x80xi32, #tpu.memory_space<vmem>> -> memref<80xi32, #tpu.memory_space<vmem>>
      %dma_wait3A_447 = arith.constant 0 : i32
      %dma_wait3A_448 = arith.constant 0 : i32
      %dma_wait3A_449 = tpu.memref_slice %arg7[%dma_wait3A_447, %dma_wait3A_448] : memref<10240x128xf32, #tpu.memory_space<vmem_shared>> -> memref<10240x128xf32, #tpu.memory_space<vmem_shared>>
      tpu.wait_indirect_dma semaphore(%run_scoped3A_429 : memref<!tpu.dma_semaphore, #tpu.memory_space<semaphore_mem>>) src(%dma_wait3A_443 : memref<80x128xf32, #tpu.memory_space<vmem>>) dst(%dma_wait3A_449 : memref<10240x128xf32, #tpu.memory_space<vmem_shared>>)
      tpu.yield
    }) : () -> ()
    %add3A_358 = arith.constant 9920 : i32
    %add3A_359 = arith.addi %mul3A_2, %add3A_358 : i32
    %dma_start3A_360 = arith.constant 1 : i32
    %dma_start3A_361 = arith.constant 0 : i32
    %dma_start3A_362 = arith.constant 0 : i32
    %dma_start3A_363 = tpu.memref_slice %arg6[%dma_start3A_360, %dma_start3A_361, %dma_start3A_362] : memref<3x80x128xf32, #tpu.memory_space<vmem>> -> memref<1x80x128xf32, #tpu.memory_space<vmem>>
    %dma_start3A_364 = tpu.memref_squeeze %dma_start3A_363 : memref<1x80x128xf32, #tpu.memory_space<vmem>> -> memref<80x128xf32, #tpu.memory_space<vmem>>
    %dma_start3A_365 = arith.constant 0 : i32
    %dma_start3A_366 = tpu.memref_slice %arg2[%add3A_359, %dma_start3A_365] : memref<320000x128xf32, #tpu.memory_space<hbm>> -> memref<80x128xf32, #tpu.memory_space<hbm>>
    %dma_start3A_367 = arith.constant 0 : i32
    %dma_start3A_368 = arith.constant 0 : i32
    %dma_start3A_369 = tpu.memref_slice %arg6[%dma_start3A_360, %dma_start3A_367, %dma_start3A_368] : memref<3x80x128xf32, #tpu.memory_space<vmem>> -> memref<1x80x128xf32, #tpu.memory_space<vmem>>
    %dma_start3A_370 = tpu.memref_squeeze %dma_start3A_369 : memref<1x80x128xf32, #tpu.memory_space<vmem>> -> memref<80x128xf32, #tpu.memory_space<vmem>>
    %dma_start3A_371 = arith.constant 0 : i32
    %dma_start3A_372 = tpu.memref_slice %arg2[%add3A_359, %dma_start3A_371] : memref<320000x128xf32, #tpu.memory_space<hbm>> -> memref<80x128xf32, #tpu.memory_space<hbm>>
    tpu.enqueue_dma source(%dma_start3A_372 : memref<80x128xf32, #tpu.memory_space<hbm>>) target(%dma_start3A_370 : memref<80x128xf32, #tpu.memory_space<vmem>>) target_semaphore(%arg9 : memref<!tpu.dma_semaphore, #tpu.memory_space<semaphore_mem>>)
    %dma_wait3A_373 = arith.constant 2 : i32
    %dma_wait3A_374 = arith.constant 0 : i32
    %dma_wait3A_375 = arith.constant 0 : i32
    %dma_wait3A_376 = tpu.memref_slice %arg6[%dma_wait3A_373, %dma_wait3A_374, %dma_wait3A_375] : memref<3x80x128xf32, #tpu.memory_space<vmem>> -> memref<1x80x128xf32, #tpu.memory_space<vmem>>
    %dma_wait3A_377 = tpu.memref_squeeze %dma_wait3A_376 : memref<1x80x128xf32, #tpu.memory_space<vmem>> -> memref<80x128xf32, #tpu.memory_space<vmem>>
    %dma_wait3A_378 = arith.constant 0 : i32
    %dma_wait3A_379 = arith.constant 0 : i32
    %dma_wait3A_380 = tpu.memref_slice %arg2[%dma_wait3A_378, %dma_wait3A_379] : memref<320000x128xf32, #tpu.memory_space<hbm>> -> memref<80x128xf32, #tpu.memory_space<hbm>>
    %dma_wait3A_381 = arith.constant 0 : i32
    %dma_wait3A_382 = arith.constant 0 : i32
    %dma_wait3A_383 = tpu.memref_slice %arg6[%dma_wait3A_373, %dma_wait3A_381, %dma_wait3A_382] : memref<3x80x128xf32, #tpu.memory_space<vmem>> -> memref<1x80x128xf32, #tpu.memory_space<vmem>>
    %dma_wait3A_384 = tpu.memref_squeeze %dma_wait3A_383 : memref<1x80x128xf32, #tpu.memory_space<vmem>> -> memref<80x128xf32, #tpu.memory_space<vmem>>
    %dma_wait3A_385 = arith.constant 0 : i32
    %dma_wait3A_386 = arith.constant 0 : i32
    %dma_wait3A_387 = tpu.memref_slice %arg2[%dma_wait3A_385, %dma_wait3A_386] : memref<320000x128xf32, #tpu.memory_space<hbm>> -> memref<80x128xf32, #tpu.memory_space<hbm>>
    tpu.wait_dma2 semaphore(%arg10 : memref<!tpu.dma_semaphore, #tpu.memory_space<semaphore_mem>>) src(%dma_wait3A_387 : memref<80x128xf32, #tpu.memory_space<hbm>>) dst(%dma_wait3A_384 : memref<80x128xf32, #tpu.memory_space<vmem>>)
    %run_scoped3A_388 = arith.constant 2 : i32
    %run_scoped3A_389 = arith.constant 122 : i32
    "tpu.region"() ({
      %run_scoped3A_429 = tpu.sem_alloc : memref<!tpu.dma_semaphore, #tpu.memory_space<semaphore_mem>>
      %dma_start3A_430 = arith.constant 0 : i32
      %dma_start3A_431 = arith.constant 0 : i32
      %dma_start3A_432 = tpu.memref_slice %arg6[%run_scoped3A_388, %dma_start3A_430, %dma_start3A_431] : memref<3x80x128xf32, #tpu.memory_space<vmem>> -> memref<1x80x128xf32, #tpu.memory_space<vmem>>
      %dma_start3A_433 = tpu.memref_squeeze %dma_start3A_432 : memref<1x80x128xf32, #tpu.memory_space<vmem>> -> memref<80x128xf32, #tpu.memory_space<vmem>>
      %dma_start3A_434 = arith.constant 0 : i32
      %dma_start3A_435 = tpu.memref_slice %arg5[%run_scoped3A_389, %dma_start3A_434] : memref<125x80xi32, #tpu.memory_space<vmem>> -> memref<1x80xi32, #tpu.memory_space<vmem>>
      %dma_start3A_436 = tpu.memref_squeeze %dma_start3A_435 : memref<1x80xi32, #tpu.memory_space<vmem>> -> memref<80xi32, #tpu.memory_space<vmem>>
      %dma_start3A_437 = arith.constant 0 : i32
      %dma_start3A_438 = arith.constant 0 : i32
      %dma_start3A_439 = tpu.memref_slice %arg7[%dma_start3A_437, %dma_start3A_438] : memref<10240x128xf32, #tpu.memory_space<vmem_shared>> -> memref<10240x128xf32, #tpu.memory_space<vmem_shared>>
      tpu.enqueue_indirect_dma source(%dma_start3A_433 : memref<80x128xf32, #tpu.memory_space<vmem>>) target(%dma_start3A_439 : memref<10240x128xf32, #tpu.memory_space<vmem_shared>>) offsets(%dma_start3A_436 : memref<80xi32, #tpu.memory_space<vmem>>) semaphore(%run_scoped3A_429 : memref<!tpu.dma_semaphore, #tpu.memory_space<semaphore_mem>>) {add = true}
      %dma_wait3A_440 = arith.constant 0 : i32
      %dma_wait3A_441 = arith.constant 0 : i32
      %dma_wait3A_442 = tpu.memref_slice %arg6[%run_scoped3A_388, %dma_wait3A_440, %dma_wait3A_441] : memref<3x80x128xf32, #tpu.memory_space<vmem>> -> memref<1x80x128xf32, #tpu.memory_space<vmem>>
      %dma_wait3A_443 = tpu.memref_squeeze %dma_wait3A_442 : memref<1x80x128xf32, #tpu.memory_space<vmem>> -> memref<80x128xf32, #tpu.memory_space<vmem>>
      %dma_wait3A_444 = arith.constant 0 : i32
      %dma_wait3A_445 = tpu.memref_slice %arg5[%run_scoped3A_389, %dma_wait3A_444] : memref<125x80xi32, #tpu.memory_space<vmem>> -> memref<1x80xi32, #tpu.memory_space<vmem>>
      %dma_wait3A_446 = tpu.memref_squeeze %dma_wait3A_445 : memref<1x80xi32, #tpu.memory_space<vmem>> -> memref<80xi32, #tpu.memory_space<vmem>>
      %dma_wait3A_447 = arith.constant 0 : i32
      %dma_wait3A_448 = arith.constant 0 : i32
      %dma_wait3A_449 = tpu.memref_slice %arg7[%dma_wait3A_447, %dma_wait3A_448] : memref<10240x128xf32, #tpu.memory_space<vmem_shared>> -> memref<10240x128xf32, #tpu.memory_space<vmem_shared>>
      tpu.wait_indirect_dma semaphore(%run_scoped3A_429 : memref<!tpu.dma_semaphore, #tpu.memory_space<semaphore_mem>>) src(%dma_wait3A_443 : memref<80x128xf32, #tpu.memory_space<vmem>>) dst(%dma_wait3A_449 : memref<10240x128xf32, #tpu.memory_space<vmem_shared>>)
      tpu.yield
    }) : () -> ()
    %dma_wait3A_390 = arith.constant 0 : i32
    %dma_wait3A_391 = arith.constant 0 : i32
    %dma_wait3A_392 = arith.constant 0 : i32
    %dma_wait3A_393 = tpu.memref_slice %arg6[%dma_wait3A_390, %dma_wait3A_391, %dma_wait3A_392] : memref<3x80x128xf32, #tpu.memory_space<vmem>> -> memref<1x80x128xf32, #tpu.memory_space<vmem>>
    %dma_wait3A_394 = tpu.memref_squeeze %dma_wait3A_393 : memref<1x80x128xf32, #tpu.memory_space<vmem>> -> memref<80x128xf32, #tpu.memory_space<vmem>>
    %dma_wait3A_395 = arith.constant 0 : i32
    %dma_wait3A_396 = arith.constant 0 : i32
    %dma_wait3A_397 = tpu.memref_slice %arg2[%dma_wait3A_395, %dma_wait3A_396] : memref<320000x128xf32, #tpu.memory_space<hbm>> -> memref<80x128xf32, #tpu.memory_space<hbm>>
    %dma_wait3A_398 = arith.constant 0 : i32
    %dma_wait3A_399 = arith.constant 0 : i32
    %dma_wait3A_400 = tpu.memref_slice %arg6[%dma_wait3A_390, %dma_wait3A_398, %dma_wait3A_399] : memref<3x80x128xf32, #tpu.memory_space<vmem>> -> memref<1x80x128xf32, #tpu.memory_space<vmem>>
    %dma_wait3A_401 = tpu.memref_squeeze %dma_wait3A_400 : memref<1x80x128xf32, #tpu.memory_space<vmem>> -> memref<80x128xf32, #tpu.memory_space<vmem>>
    %dma_wait3A_402 = arith.constant 0 : i32
    %dma_wait3A_403 = arith.constant 0 : i32
    %dma_wait3A_404 = tpu.memref_slice %arg2[%dma_wait3A_402, %dma_wait3A_403] : memref<320000x128xf32, #tpu.memory_space<hbm>> -> memref<80x128xf32, #tpu.memory_space<hbm>>
    tpu.wait_dma2 semaphore(%arg8 : memref<!tpu.dma_semaphore, #tpu.memory_space<semaphore_mem>>) src(%dma_wait3A_404 : memref<80x128xf32, #tpu.memory_space<hbm>>) dst(%dma_wait3A_401 : memref<80x128xf32, #tpu.memory_space<vmem>>)
    %run_scoped3A_405 = arith.constant 0 : i32
    %run_scoped3A_406 = arith.constant 123 : i32
    "tpu.region"() ({
      %run_scoped3A_429 = tpu.sem_alloc : memref<!tpu.dma_semaphore, #tpu.memory_space<semaphore_mem>>
      %dma_start3A_430 = arith.constant 0 : i32
      %dma_start3A_431 = arith.constant 0 : i32
      %dma_start3A_432 = tpu.memref_slice %arg6[%run_scoped3A_405, %dma_start3A_430, %dma_start3A_431] : memref<3x80x128xf32, #tpu.memory_space<vmem>> -> memref<1x80x128xf32, #tpu.memory_space<vmem>>
      %dma_start3A_433 = tpu.memref_squeeze %dma_start3A_432 : memref<1x80x128xf32, #tpu.memory_space<vmem>> -> memref<80x128xf32, #tpu.memory_space<vmem>>
      %dma_start3A_434 = arith.constant 0 : i32
      %dma_start3A_435 = tpu.memref_slice %arg5[%run_scoped3A_406, %dma_start3A_434] : memref<125x80xi32, #tpu.memory_space<vmem>> -> memref<1x80xi32, #tpu.memory_space<vmem>>
      %dma_start3A_436 = tpu.memref_squeeze %dma_start3A_435 : memref<1x80xi32, #tpu.memory_space<vmem>> -> memref<80xi32, #tpu.memory_space<vmem>>
      %dma_start3A_437 = arith.constant 0 : i32
      %dma_start3A_438 = arith.constant 0 : i32
      %dma_start3A_439 = tpu.memref_slice %arg7[%dma_start3A_437, %dma_start3A_438] : memref<10240x128xf32, #tpu.memory_space<vmem_shared>> -> memref<10240x128xf32, #tpu.memory_space<vmem_shared>>
      tpu.enqueue_indirect_dma source(%dma_start3A_433 : memref<80x128xf32, #tpu.memory_space<vmem>>) target(%dma_start3A_439 : memref<10240x128xf32, #tpu.memory_space<vmem_shared>>) offsets(%dma_start3A_436 : memref<80xi32, #tpu.memory_space<vmem>>) semaphore(%run_scoped3A_429 : memref<!tpu.dma_semaphore, #tpu.memory_space<semaphore_mem>>) {add = true}
      %dma_wait3A_440 = arith.constant 0 : i32
      %dma_wait3A_441 = arith.constant 0 : i32
      %dma_wait3A_442 = tpu.memref_slice %arg6[%run_scoped3A_405, %dma_wait3A_440, %dma_wait3A_441] : memref<3x80x128xf32, #tpu.memory_space<vmem>> -> memref<1x80x128xf32, #tpu.memory_space<vmem>>
      %dma_wait3A_443 = tpu.memref_squeeze %dma_wait3A_442 : memref<1x80x128xf32, #tpu.memory_space<vmem>> -> memref<80x128xf32, #tpu.memory_space<vmem>>
      %dma_wait3A_444 = arith.constant 0 : i32
      %dma_wait3A_445 = tpu.memref_slice %arg5[%run_scoped3A_406, %dma_wait3A_444] : memref<125x80xi32, #tpu.memory_space<vmem>> -> memref<1x80xi32, #tpu.memory_space<vmem>>
      %dma_wait3A_446 = tpu.memref_squeeze %dma_wait3A_445 : memref<1x80xi32, #tpu.memory_space<vmem>> -> memref<80xi32, #tpu.memory_space<vmem>>
      %dma_wait3A_447 = arith.constant 0 : i32
      %dma_wait3A_448 = arith.constant 0 : i32
      %dma_wait3A_449 = tpu.memref_slice %arg7[%dma_wait3A_447, %dma_wait3A_448] : memref<10240x128xf32, #tpu.memory_space<vmem_shared>> -> memref<10240x128xf32, #tpu.memory_space<vmem_shared>>
      tpu.wait_indirect_dma semaphore(%run_scoped3A_429 : memref<!tpu.dma_semaphore, #tpu.memory_space<semaphore_mem>>) src(%dma_wait3A_443 : memref<80x128xf32, #tpu.memory_space<vmem>>) dst(%dma_wait3A_449 : memref<10240x128xf32, #tpu.memory_space<vmem_shared>>)
      tpu.yield
    }) : () -> ()
    %dma_wait3A_407 = arith.constant 1 : i32
    %dma_wait3A_408 = arith.constant 0 : i32
    %dma_wait3A_409 = arith.constant 0 : i32
    %dma_wait3A_410 = tpu.memref_slice %arg6[%dma_wait3A_407, %dma_wait3A_408, %dma_wait3A_409] : memref<3x80x128xf32, #tpu.memory_space<vmem>> -> memref<1x80x128xf32, #tpu.memory_space<vmem>>
    %dma_wait3A_411 = tpu.memref_squeeze %dma_wait3A_410 : memref<1x80x128xf32, #tpu.memory_space<vmem>> -> memref<80x128xf32, #tpu.memory_space<vmem>>
    %dma_wait3A_412 = arith.constant 0 : i32
    %dma_wait3A_413 = arith.constant 0 : i32
    %dma_wait3A_414 = tpu.memref_slice %arg2[%dma_wait3A_412, %dma_wait3A_413] : memref<320000x128xf32, #tpu.memory_space<hbm>> -> memref<80x128xf32, #tpu.memory_space<hbm>>
    %dma_wait3A_415 = arith.constant 0 : i32
    %dma_wait3A_416 = arith.constant 0 : i32
    %dma_wait3A_417 = tpu.memref_slice %arg6[%dma_wait3A_407, %dma_wait3A_415, %dma_wait3A_416] : memref<3x80x128xf32, #tpu.memory_space<vmem>> -> memref<1x80x128xf32, #tpu.memory_space<vmem>>
    %dma_wait3A_418 = tpu.memref_squeeze %dma_wait3A_417 : memref<1x80x128xf32, #tpu.memory_space<vmem>> -> memref<80x128xf32, #tpu.memory_space<vmem>>
    %dma_wait3A_419 = arith.constant 0 : i32
    %dma_wait3A_420 = arith.constant 0 : i32
    %dma_wait3A_421 = tpu.memref_slice %arg2[%dma_wait3A_419, %dma_wait3A_420] : memref<320000x128xf32, #tpu.memory_space<hbm>> -> memref<80x128xf32, #tpu.memory_space<hbm>>
    tpu.wait_dma2 semaphore(%arg9 : memref<!tpu.dma_semaphore, #tpu.memory_space<semaphore_mem>>) src(%dma_wait3A_421 : memref<80x128xf32, #tpu.memory_space<hbm>>) dst(%dma_wait3A_418 : memref<80x128xf32, #tpu.memory_space<vmem>>)
    %run_scoped3A_422 = arith.constant 1 : i32
    %run_scoped3A_423 = arith.constant 124 : i32
    "tpu.region"() ({
      %run_scoped3A_429 = tpu.sem_alloc : memref<!tpu.dma_semaphore, #tpu.memory_space<semaphore_mem>>
      %dma_start3A_430 = arith.constant 0 : i32
      %dma_start3A_431 = arith.constant 0 : i32
      %dma_start3A_432 = tpu.memref_slice %arg6[%run_scoped3A_422, %dma_start3A_430, %dma_start3A_431] : memref<3x80x128xf32, #tpu.memory_space<vmem>> -> memref<1x80x128xf32, #tpu.memory_space<vmem>>
      %dma_start3A_433 = tpu.memref_squeeze %dma_start3A_432 : memref<1x80x128xf32, #tpu.memory_space<vmem>> -> memref<80x128xf32, #tpu.memory_space<vmem>>
      %dma_start3A_434 = arith.constant 0 : i32
      %dma_start3A_435 = tpu.memref_slice %arg5[%run_scoped3A_423, %dma_start3A_434] : memref<125x80xi32, #tpu.memory_space<vmem>> -> memref<1x80xi32, #tpu.memory_space<vmem>>
      %dma_start3A_436 = tpu.memref_squeeze %dma_start3A_435 : memref<1x80xi32, #tpu.memory_space<vmem>> -> memref<80xi32, #tpu.memory_space<vmem>>
      %dma_start3A_437 = arith.constant 0 : i32
      %dma_start3A_438 = arith.constant 0 : i32
      %dma_start3A_439 = tpu.memref_slice %arg7[%dma_start3A_437, %dma_start3A_438] : memref<10240x128xf32, #tpu.memory_space<vmem_shared>> -> memref<10240x128xf32, #tpu.memory_space<vmem_shared>>
      tpu.enqueue_indirect_dma source(%dma_start3A_433 : memref<80x128xf32, #tpu.memory_space<vmem>>) target(%dma_start3A_439 : memref<10240x128xf32, #tpu.memory_space<vmem_shared>>) offsets(%dma_start3A_436 : memref<80xi32, #tpu.memory_space<vmem>>) semaphore(%run_scoped3A_429 : memref<!tpu.dma_semaphore, #tpu.memory_space<semaphore_mem>>) {add = true}
      %dma_wait3A_440 = arith.constant 0 : i32
      %dma_wait3A_441 = arith.constant 0 : i32
      %dma_wait3A_442 = tpu.memref_slice %arg6[%run_scoped3A_422, %dma_wait3A_440, %dma_wait3A_441] : memref<3x80x128xf32, #tpu.memory_space<vmem>> -> memref<1x80x128xf32, #tpu.memory_space<vmem>>
      %dma_wait3A_443 = tpu.memref_squeeze %dma_wait3A_442 : memref<1x80x128xf32, #tpu.memory_space<vmem>> -> memref<80x128xf32, #tpu.memory_space<vmem>>
      %dma_wait3A_444 = arith.constant 0 : i32
      %dma_wait3A_445 = tpu.memref_slice %arg5[%run_scoped3A_423, %dma_wait3A_444] : memref<125x80xi32, #tpu.memory_space<vmem>> -> memref<1x80xi32, #tpu.memory_space<vmem>>
      %dma_wait3A_446 = tpu.memref_squeeze %dma_wait3A_445 : memref<1x80xi32, #tpu.memory_space<vmem>> -> memref<80xi32, #tpu.memory_space<vmem>>
      %dma_wait3A_447 = arith.constant 0 : i32
      %dma_wait3A_448 = arith.constant 0 : i32
      %dma_wait3A_449 = tpu.memref_slice %arg7[%dma_wait3A_447, %dma_wait3A_448] : memref<10240x128xf32, #tpu.memory_space<vmem_shared>> -> memref<10240x128xf32, #tpu.memory_space<vmem_shared>>
      tpu.wait_indirect_dma semaphore(%run_scoped3A_429 : memref<!tpu.dma_semaphore, #tpu.memory_space<semaphore_mem>>) src(%dma_wait3A_443 : memref<80x128xf32, #tpu.memory_space<vmem>>) dst(%dma_wait3A_449 : memref<10240x128xf32, #tpu.memory_space<vmem_shared>>)
      tpu.yield
    }) : () -> ()
    %barrier3A_424 = arith.constant 0 : index
    tpu.barrier barrier_id(%barrier3A_424)
    %mul3A_425 = arith.constant 640 : i32
    %mul3A_426 = arith.muli %arg1, %mul3A_425 : i32
    %mul3A_427 = arith.constant 640 : i32
    %mul3A_428 = arith.muli %arg1, %mul3A_427 : i32
    "tpu.region"() ({
      %run_scoped3A_429 = tpu.sem_alloc : memref<!tpu.dma_semaphore, #tpu.memory_space<semaphore_mem>>
      %dma_start3A_430 = arith.constant 0 : i32
      %dma_start3A_431 = tpu.memref_slice %arg4[%arg0, %mul3A_428, %dma_start3A_430] : memref<2x10240x128xf32, #tpu.memory_space<hbm>> -> memref<1x640x128xf32, #tpu.memory_space<hbm>>
      %dma_start3A_432 = tpu.memref_squeeze %dma_start3A_431 : memref<1x640x128xf32, #tpu.memory_space<hbm>> -> memref<640x128xf32, #tpu.memory_space<hbm>>
      %dma_start3A_433 = arith.constant 0 : i32
      %dma_start3A_434 = tpu.memref_slice %arg7[%mul3A_426, %dma_start3A_433] : memref<10240x128xf32, #tpu.memory_space<vmem_shared>> -> memref<640x128xf32, #tpu.memory_space<vmem_shared>>
      tpu.enqueue_dma source(%dma_start3A_434 : memref<640x128xf32, #tpu.memory_space<vmem_shared>>) target(%dma_start3A_432 : memref<640x128xf32, #tpu.memory_space<hbm>>) target_semaphore(%run_scoped3A_429 : memref<!tpu.dma_semaphore, #tpu.memory_space<semaphore_mem>>)
      %dma_wait3A_435 = arith.constant 0 : i32
      %dma_wait3A_436 = tpu.memref_slice %arg4[%arg0, %mul3A_428, %dma_wait3A_435] : memref<2x10240x128xf32, #tpu.memory_space<hbm>> -> memref<1x640x128xf32, #tpu.memory_space<hbm>>
      %dma_wait3A_437 = tpu.memref_squeeze %dma_wait3A_436 : memref<1x640x128xf32, #tpu.memory_space<hbm>> -> memref<640x128xf32, #tpu.memory_space<hbm>>
      %dma_wait3A_438 = arith.constant 0 : i32
      %dma_wait3A_439 = tpu.memref_slice %arg7[%mul3A_426, %dma_wait3A_438] : memref<10240x128xf32, #tpu.memory_space<vmem_shared>> -> memref<640x128xf32, #tpu.memory_space<vmem_shared>>
      tpu.wait_dma2 semaphore(%run_scoped3A_429 : memref<!tpu.dma_semaphore, #tpu.memory_space<semaphore_mem>>) src(%dma_wait3A_439 : memref<640x128xf32, #tpu.memory_space<vmem_shared>>) dst(%dma_wait3A_437 : memref<640x128xf32, #tpu.memory_space<hbm>>)
      tpu.yield
    }) : () -> ()
    return
  }
}

module attributes {stable_mosaic.version = 14 : i64} {
  func.func @_merge_body(%arg0: i32, %arg1: memref<2x5000x128xf32, #tpu.memory_space<vmem>>, %arg2: memref<5000x128xf32, #tpu.memory_space<vmem>>) attributes {dimension_semantics = [#tpu.dimension_semantics<arbitrary>], iteration_bounds = array<i64: 2>, scalar_prefetch = 0 : i64, scratch_operands = 0 : i64, tpu.core_type = #tpu.core_type<tc>, window_params = [{transform_indices = @transform_0, window_bounds = array<i64: 2, 5000, 128>}, {transform_indices = @transform_1, window_bounds = array<i64: 5000, 128>}]} {
    %get3A = arith.constant 0 : index
    %get3A_0 = arith.constant 0 : index
    %get3A_1 = arith.constant 0 : index
    %get3A_2 = vector.load %arg1[%get3A, %get3A_0, %get3A_1] : memref<2x5000x128xf32, #tpu.memory_space<vmem>>, vector<1x5000x128xf32>
    %get3A_3 = vector.shape_cast %get3A_2 : vector<1x5000x128xf32> to vector<5000x128xf32>
    %get3A_4 = arith.constant 1 : index
    %get3A_5 = arith.constant 0 : index
    %get3A_6 = arith.constant 0 : index
    %get3A_7 = vector.load %arg1[%get3A_4, %get3A_5, %get3A_6] : memref<2x5000x128xf32, #tpu.memory_space<vmem>>, vector<1x5000x128xf32>
    %get3A_8 = vector.shape_cast %get3A_7 : vector<1x5000x128xf32> to vector<5000x128xf32>
    %add3A = arith.addf %get3A_3, %get3A_8 : vector<5000x128xf32>
    %swap3A = arith.constant 0 : index
    %swap3A_9 = arith.constant 0 : index
    %swap3A_10 = vector.load %arg2[%swap3A, %swap3A_9] : memref<5000x128xf32, #tpu.memory_space<vmem>>, vector<5000x128xf32>
    tpu.vector_store %arg2[%swap3A, %swap3A_9], %add3A {strides = array<i32>} : memref<5000x128xf32, #tpu.memory_space<vmem>>, vector<5000x128xf32>,
    return
  }
  func.func @transform_0(%arg0: i32) -> (i32, i32, i32) {
    %c0_i32 = arith.constant 0 : i32
    %c0_i32_0 = arith.constant 0 : i32
    %c0_i32_1 = arith.constant 0 : i32
    return %c0_i32, %arg0, %c0_i32_0 : i32, i32, i32
  }
  func.func @transform_1(%arg0: i32) -> (i32, i32) {
    %c0_i32 = arith.constant 0 : i32
    %c0_i32_0 = arith.constant 0 : i32
    return %arg0, %c0_i32 : i32, i32
  }
}

</mosaic_0001>

<sc_bundles>
// kernel: kernel.4.cloned.1.call-start
scs
__scs_entry_jumppad:
0x0: {  	(pc) =	sbr.rel $0x88, $3  }
0x1: {  	(tag) =	ssettag $0x0;
	lr =	simm.s32 $0x1  }
0x2: {  	[smem:$0x3F9F] =	sst lr;
	_ =	strace $0xD0000000  }
0x3: {  	_ = 	snop  }
0x4: {  	_ = 	snop  }
0x5: {  	_ = 	snop  }
0x6: {  	_ = 	snop  }
0x7: {  	_ = 	snop  }
__scs_overlays_trampoline_lowered:
0x8: {  	[smem:$0x3FAE] =	sst s0  }
0x9: {  	[smem:$0x3FAF] =	sst s1  }
0xa: {  	[smem:$0x3FB0] =	sst s2  }
0xb: {  	[smem:$0x3FB1] =	sst s3  }
0xc: {  	[smem:$0x3FB2] =	sst s4  }
0xd: {  	[smem:$0x3FB3] =	sst s5  }
0xe: {  	[smem:$0x3FB4] =	sst s6  }
0xf: {  	[smem:$0x3FB5] =	sst s7  }
0x10: {  	[smem:$0x3FB6] =	sst s8  }
0x11: {  	[smem:$0x3FB7] =	sst s9;
	s0 =	simm.s32 @!p0 $0x0  }
0x12: {  	s1 =	sld [smem:$0x3F9D];
	s0 =	simm.s32 @p0 $0x1  }
0x13: {  	[smem:$0x3FB8] =	sst s0;
	s0 =	simm.s32 @!p1 $0x0  }
0x14: {  	s2 =	sld [smem:$0x3F9C];
	s0 =	simm.s32 @p1 $0x1  }
0x15: {  	[smem:$0x3FB9] =	sst s0;
	s0 =	simm.s32 @!p2 $0x0  }
0x16: {  	s3 =	sld [smem:$0x3FDB];
	s0 =	simm.s32 @p2 $0x1  }
0x17: {  	s4 =	simm.s32 $0x1BF5;
	[smem:$0x3FBB] =	sst s0  }
0x18: {  	s0 =	sld [smem:$0x3F9E];
	_ =	swait.ge [sflag:s4], $0x0  }
0x19: {  	s7 =	sld [smem:$0x3F9F]  }
0x1a: {  	s8 =	sadd.s32 $0xFFFFE003, lr  }
0x1b: {  	s9 =	sadd.s32 $0xFFFFFEF7, lr;
	s5 =	simm.s32 $0xFFFFFFFF;
	p2 =	slt.u32 s8, $0xFFFFF086  }
0x1c: {  	p1 =	slt.u32 s9, $0xF7A;
	s5 =	simm.s32 @!p2 $0x0  }
0x1d: {  	s5 =	simm.s32 @p1 $0x1;
	p0 =	seq.s32 s7, s2  }
0x1e: {  	s7 =	smul.u32 @!p0 $0xF7A, s2;
	p2 =	seq.s32 @!p0 s5, $0x0  }
0x1f: {  	s9 =	smul.u32 $0xF7A, s1;
	s8 =	simm.s32 @!p0 $0x1BF5;
	p2 =	por !p2, p0  }
0x20: {  	[sflag:s8] =	ssyncset.s32 @!p0 $0xFFFFF086;
	s6 =	sadd.s32 @!p0 s3, s7;
	s7 =	simm.s32 @!p0 $0x108  }
0x21: {  	s3 =	sadd.s32 s3, s9;
	s6 =	sadd.s32 @!p0 $0x88, s6;
	s7 =	simm.s32 @p2 $0x1082  }
0x22: {  	[simem:s7], [sflag:s8] =	dma.local @!p0 [hbm:s6], $0xF7A  }
0x23: {  	s9 =	sor.u32 $0xD0000000, s2;
	s6 =	simm.s32 $0x108;
	_ =	swait.ge @!p0 [sflag:s8], $0x0  }
0x24: {  	s3 =	sadd.s32 $0x88, s3;
	s6 =	simm.s32 @!p1 $0x1082;
	[sflag:s4] =	ssyncset.s32 $0xFFFFF086  }
0x25: {  	[simem:s6], [sflag:s4] =	dma.local [hbm:s3], $0xF7A  }
0x26: {  	[smem:$0x3F9F] =	sst s1;
	(tag) =	ssettag s2;
	_ =	strace s9  }
0x27: {  	s1 =	sld [smem:$0x3FAF]  }
0x28: {  	s2 =	sld [smem:$0x3FB0]  }
0x29: {  	s4 =	sld [smem:$0x3FB2]  }
0x2a: {  	p0 =	seq.s32 s5, $0x0;
	s5 =	sld [smem:$0x3FB3]  }
0x2b: {  	s6 =	sld [smem:$0x3FB4]  }
0x2c: {  	s7 =	sld [smem:$0x3FB5]  }
0x2d: {  	s3 =	simm.s32 $0x108;
	s8 =	sld [smem:$0x3FB6]  }
0x2e: {  	s3 =	simm.s32 @!p0 $0x1082;
	s9 =	sld [smem:$0x3FB7]  }
0x2f: {  	lr =	sadd.s32 s0, s3;
	s0 =	sld [smem:$0x3FAE]  }
0x30: {  	s3 =	sld [smem:$0x3FB1]  }
0x31: {  	[smem:$0x3FBA] =	sst s10  }
0x32: {  	s10 =	sld [smem:$0x3FB8];
	_ =	sdelay $0x3  }
0x33: {  	p0 =	seq.s32 s10, $0x1;
	s10 =	sld [smem:$0x3FBA];
	_ =	sdelay $0x3  }
0x34: {  	[smem:$0x3FBA] =	sst s10  }
0x35: {  	s10 =	sld [smem:$0x3FB9];
	_ =	sdelay $0x3  }
0x36: {  	p1 =	seq.s32 s10, $0x1;
	s10 =	sld [smem:$0x3FBA];
	_ =	sdelay $0x3  }
0x37: {  	[smem:$0x3FBA] =	sst s10  }
0x38: {  	s10 =	sld [smem:$0x3FBB]  }
0x39: {  	_ = 	snop;
	(pc) =	sbr.ind lr, $3  }
0x3a: {  	_ = 	snop  }
0x3b: {  	_ = 	snop  }
0x3c: {  	p2 =	seq.s32 s10, $0x1;
	s10 =	sld [smem:$0x3FBA]  }
0x3d: {  	_ =	shalt  }
0x3e: {  	_ =	shalt  }
0x3f: {  	_ =	shalt  }
0x40: {  	_ =	shalt  }
0x41: {  	_ =	shalt  }
0x42: {  	_ =	shalt  }
0x43: {  	_ =	shalt  }
0x44: {  	_ =	shalt  }
0x45: {  	_ =	shalt  }
0x46: {  	_ =	shalt  }
0x47: {  	_ =	shalt  }
0x48: {  	_ =	shalt  }
0x49: {  	_ =	shalt  }
0x4a: {  	_ =	shalt  }
0x4b: {  	_ =	shalt  }
0x4c: {  	_ =	shalt  }
0x4d: {  	_ =	shalt  }
0x4e: {  	_ =	shalt  }
0x4f: {  	_ =	shalt  }
0x50: {  	_ =	shalt  }
0x51: {  	_ =	shalt  }
0x52: {  	_ =	shalt  }
0x53: {  	_ =	shalt  }
0x54: {  	_ =	shalt  }
0x55: {  	_ =	shalt  }
0x56: {  	_ =	shalt  }
0x57: {  	_ =	shalt  }
0x58: {  	_ =	shalt  }
0x59: {  	_ =	shalt  }
0x5a: {  	_ =	shalt  }
0x5b: {  	_ =	shalt  }
0x5c: {  	_ =	shalt  }
0x5d: {  	_ =	shalt  }
0x5e: {  	_ =	shalt  }
0x5f: {  	_ =	shalt  }
0x60: {  	_ =	shalt  }
0x61: {  	_ =	shalt  }
0x62: {  	_ =	shalt  }
0x63: {  	_ =	shalt  }
0x64: {  	_ =	shalt  }
0x65: {  	_ =	shalt  }
0x66: {  	_ =	shalt  }
0x67: {  	_ =	shalt  }
0x68: {  	_ =	shalt  }
0x69: {  	_ =	shalt  }
0x6a: {  	_ =	shalt  }
0x6b: {  	_ =	shalt  }
0x6c: {  	_ =	shalt  }
0x6d: {  	_ =	shalt  }
0x6e: {  	_ =	shalt  }
0x6f: {  	_ =	shalt  }
0x70: {  	_ =	shalt  }
0x71: {  	_ =	shalt  }
0x72: {  	_ =	shalt  }
0x73: {  	_ =	shalt  }
0x74: {  	_ =	shalt  }
0x75: {  	_ =	shalt  }
0x76: {  	_ =	shalt  }
0x77: {  	_ =	shalt  }
0x78: {  	_ =	shalt  }
0x79: {  	_ =	shalt  }
0x7a: {  	_ =	shalt  }
0x7b: {  	_ =	shalt  }
0x7c: {  	_ =	shalt  }
0x7d: {  	_ =	shalt  }
0x7e: {  	_ =	shalt  }
0x7f: {  	_ =	shalt  }
0x80: {  	_ =	shalt  }
0x81: {  	_ =	shalt  }
0x82: {  	_ =	shalt  }
0x83: {  	_ =	shalt  }
0x84: {  	_ =	shalt  }
0x85: {  	_ =	shalt  }
0x86: {  	_ =	shalt  }
0x87: {  	_ =	shalt  }
.Lfunc_end0:
.L_simem_size_0:
called_computation_lowered:
.L_overlay_start_0:
0x88: {  	s2 =	sld [smem:$0x3FD9]  }
0x89: {  	s3 =	sld [smem:$0x3FFE];
	_ =	sdelay $0x1  }
0x8a: {  	s1 =	srdreg.scid  }
0x8b: {  	s0 =	sand.u32 $0x1, s1  }
0x8c: {  	s17 =	sshll.u32 s0, $0xA;
	s2 =	sadd.s32 s3, s2  }
0x8d: {  	s2 =	sadd.s32 s2, s17  }
0x8e: {  	[smem:$0x3FC6] =	sst s2  }
0x8f: {  	_ = 	snop  }
0x90: {  	s2 =	sld [smem:$0x3FC9]  }
0x91: {  	s18 =	sld [smem:$0x3FD0];
	(tm) =	ssettm $0x1  }
0x92: {  	s4 =	sld [smem:$0x3FFB];
	_ =	sdelay $0x3  }
0x93: {  	_ =	strace s4  }
0x94: {  	s4 =	sld [smem:$0x3FFC];
	_ =	sdelay $0x3  }
0x95: {  	_ =	strace s4  }
0x96: {  	s4 =	sld [smem:$0x3FFD];
	_ =	sdelay $0x3  }
0x97: {  	_ =	strace s4  }
0x98: {  	_ =	strace $0x8FFFFFFF  }
0x99: {  	s19 =	sld [smem:$0x3FDB];
	_ =	sdelay $0x1  }
0x9a: {  	s5 =	simm.s32 $_scs_section_size  }
0x9b: {  	s6 =	simm.s32 $_size__tile_overlayer_lowered;
	s7 =	simm.s32 $_tile_overlayer_lowered  }
0x9c: {  	s22 =	simm.s32 $0x1BFF;
	s21 =	sshll.u32 s7, $0x1;
	s4 =	sadd.s32 s5, s19  }
0x9d: {  	s8 =	simm.s32 $0x0;
	s20 =	sshll.u32 s6, $0x1;
	s6 =	sadd.s32 s21, s4  }
0x9e: {  	[timem:s8], [sflag:s22] =	dma.local [hbm:s6], s20  }
0x9f: {  	_ =	swait.ge [sflag:s22], s20  }
0xa0: {  	s5 =	ssub.s32 $0x0, s20;
	[sflag:s22] =	ssyncset.done $0x0  }
0xa1: {  	[sflag:s22] =	ssyncadd.s32 s5;
	_ =	sdelay $0x1  }
0xa2: {  	s23 =	simm.s32 $0x1B8B  }
0xa3: {  	_ =	swait.ge [sflag:s23], $0x1  }
0xa4: {  	[sflag:s23] =	ssyncset.done $0x0  }
0xa5: {  	s25 =	simm.s32 $0x1B8E;
	s24 =	sld [smem:$0x3FFE];
	[sflag:s23] =	ssyncadd.s32 $0xFFFFFFFF  }
0xa6: {  	s26 =	simm.s32 $execute0_lowered;
	[smem:$0x3FD2] =	sst s25  }
0xa7: {  	s6 =	sshll.u32 s26, $0x1;
	_ =	strace $0x80000046;
	[dreg:$0x1] =	wrdreg $0xFFFFFFFF  }
0xa8: {  	s28 =	simm.s32 $_size_execute0_lowered;
	s4 =	sadd.s32 s4, s6;
	[dreg:$0x0] =	wrdreg $0x0  }
0xa9: {  	s6 =	sshll.u32 s28, $0x1;
	[dreg:$0x2] =	wrdreg s4  }
0xaa: {  	[dreg:$0x3] =	wrdreg s6  }
0xab: {  	[dreg:$0x4] =	wrdreg $0xC0  }
0xac: {  	_ =	task [dreg:s8], $0x5FFFF  }
0xad: {  	[dreg:$0x1] =	wrdreg $0xFFFFFFFF  }
0xae: {  	[dreg:$0x0] =	wrdreg $0x60  }
0xaf: {  	[dreg:$0x2] =	wrdreg s2  }
0xb0: {  	[dreg:$0x3] =	wrdreg s18  }
0xb1: {  	[dreg:$0x4] =	wrdreg s24  }
0xb2: {  	[dreg:$0x5] =	wrdreg $0xB8000  }
0xb3: {  	[dreg:$0x6] =	wrdreg $0x9  }
0xb4: {  	_ =	task.clear_ibuf [dreg:s8], $0x7FFFF;
	_ =	strace $0x90000046  }
0xb5: {  	s29 =	simm.s32 $0x9;
	_ =	strace $0x80000048  }
0xb6: {  	_ =	swait.ge [sflag:s29], $0x1  }
0xb7: {  	[sflag:s29] =	ssyncadd.s32 $0xFFFFFFFF  }
0xb8: {  	_ =	strace $0x90000048  }
0xb9: {  	_ =	sfence  }
0xba: {  	s30 =	sld [smem:$0x0];
	_ =	sdelay $0x2  }
0xbb: {  	s31 =	sshll.u32 s1, $0xD;
	s1 =	sshrl.u32 s1, $0x2  }
0xbc: {  	s3 =	sand.u32 $0x4000, s31;
	s1 =	sadd.s32 s1, s30  }
0xbd: {  	s0 =	sor.u32 s3, s0;
	s1 =	sshll.u32 s1, $0x11  }
0xbe: {  	s0 =	sor.u32 s1, s0  }
0xbf: {  	s0 =	sadd.s32 $0x8F2B, s0  }
0xc0: {  	[sflag:s0] =	ssyncadd.remote.s32 $0x1  }
0xc1: {  	_ =	sfence.sel $0xFFFF  }
0xc2: {  	[dreg:$0x0] =	wrdreg $0xFFFFFFFF;
	(pc) =	sbr.abs _section_cstart, $3  }
0xc3: {  	[dreg:$0x1] =	wrdreg $0xFFFFFFFF  }
0xc4: {  	_ =	task.clear_ibuf [dreg:s8], $0x2FFFF;
	_ =	strace $0x9FFFFFFF  }
0xc5: {  	(tm) =	ssettm $0x7FFFFFFF  }
tec
execute0_lowered:
.L_overlay_start_1:
0x0: {  	(tag) =	ssettag $0x1  }
0x1: {  	s0 =	rddreg [dreg:$0x0]  }
0x2: {  	s1 =	rddreg [dreg:$0x1];
	s2 =	srdreg.scid  }
0x3: {  	s4 =	rddreg [dreg:$0x2];
	s16 =	stileid.u32  }
0x4: {  	s21 =	simm.s32 $0x6800;
	s28 =	simm.s32 $0x50;
	s7 =	smul.u32 $0x14000, s16  }
0x5: {  	s29 =	simm.s32 $0x2;
	s30 =	simm.s32 $0x3;
	s8 =	smul.u32 $0x50000, s16  }
0x6: {  	s5 =	sand.u32 $0x1, s2;
	s2 =	rddreg [dreg:$0x3];
	s31 =	smul.u32 $0x27100, s16  }
0x7: {  	s6 =	smul.u32 $0x140000, s5;
	s3 =	sshll.u32 s5, $0x4;
	s23 =	ssub.s32 $0x2, s5  }
0x8: {  	s5 =	smul.u32 $0x271000, s5;
	s14 =	sor.u32 s16, s3;
	s3 =	simm.s32 $0x0  }
0x9: {  	s24 =	sshrl.u32 s23, $0x1;
	s8 =	sshrl.u32 s8, $0x2;
	s6 =	sadd.s32 s7, s6  }
0xa: {  	s22 =	smul.u32 $0x138800, s14;
	[smem:$0x7FF] =	sst s3;
	s19 =	ssub.s32 s23, s24  }
0xb: {  	s15 =	smul.u32 $0x27100, s14;
	s14 =	sshll.u32 s14, $0xB;
	s23 =	simm.s32 $0x4000  }
0xc: {  	s24 =	simm.s32 $0x5;
	s6 =	sshrl.u32 s6, $0x3;
	_ =	strace $0x80000047  }
0xd: {  	s14 =	sadd.s32 s1, s14;
	s19 =	smax.u32 s19, $0x1;
	s18 =	sadd.s32 s6, s4  }
0xe: {  	s7 =	sshrl.u32 s22, $0x3;
	s4 =	sadd.s32 s8, s2;
	s15 =	sadd.s32 s0, s15  }
0xf: {  	s22 =	simm.s32 $0x9000;
	s17 =	sadd.s32 s0, s7;
	s7 =	sadd.s32 $0x2800, s4  }
0x10: {  	s8 =	sadd.s32 $0x5000, s4;
	s9 =	sadd.s32 $0x7800, s4;
	s10 =	sadd.s32 $0xA000, s4  }
0x11: {  	s11 =	sadd.s32 $0xC800, s4;
	s12 =	sadd.s32 $0xF000, s4;
	s13 =	sadd.s32 $0x11800, s4  }
0x12: {  	s0 =	sadd.s32 s5, s0;
	s18 =	sadd.s32 $0x600, s18;
	s25 =	sadd.s32 $0x500, s17  }
0x13: {  	s26 =	sadd.s32 $0xA00, s17;
	s16 =	sadd.s32 $0x26700, s17;
	s17 =	sadd.s32 $0x26C00, s17  }
0x14: {  	s20 =	sadd.s32 s31, s0;
	s0 =	simm.s32 $0x0;
	[dreg:$0x5] =	wrdreg s25  }
0x15: {  	v0 =	vimm.f32 $0.0e+00;
	[dreg:$0x6] =	wrdreg s26;
	s25 =	simm.s32 $0x4;
	s26 =	simm.s32 $0x1  }
.LBB2_1:
0x16: {  	s1 =	rddreg [dreg:$0x5]  }
0x17: {  	[tilespmem:s21], [sflag:$0x2] =	stream.linear.gather [hbm4b:s1+s3], $0x2800, $0x38;
	[tilespmem:$0x1F800] =	vst v63  }
0x18: {  	s6 =	rddreg [dreg:$0x6];
	s31 =	simm.s32 $0x200;
	s1 =	simm.s32 $0x0  }
0x19: {  	[tilespmem:s22], [sflag:$0x3] =	stream.linear.gather [hbm4b:s6+s3], $0x2800, $0x38;
	[tilespmem:$0x1F800] =	vst v63  }
.LBB2_2:
0x1a: {  	p0 =	sne.s32 s31, $0x9E00;
	[tilespmem:s1+$0x4070] =	vst v0  }
0x1b: {  	[tilespmem:s1+$0x4000] =	vst v0  }
0x1c: {  	[tilespmem:s1+$0x4010] =	vst v0  }
.Ltmp0:
0x1d: {  	[tilespmem:s1+$0x4020] =	vst v0;
	(pc) =	sbr.rel @p0 .LBB2_2-.Ltmp0, $4  }
0x1e: {  	[tilespmem:s1+$0x4030] =	vst v0  }
0x1f: {  	[tilespmem:s1+$0x4040] =	vst v0  }
0x20: {  	[tilespmem:s1+$0x4050] =	vst v0  }
0x21: {  	[tilespmem:s1+$0x4060] =	vst v0;
	s1 =	sshra.s32 s31, $0x2;
	s31 =	sadd.s32 $0x200, s31  }
0x22: {  	[tilespmem:s1+$0x4070] =	vst v0  }
0x23: {  	[tilespmem:s1+$0x4000] =	vst v0  }
0x24: {  	[tilespmem:s1+$0x4010] =	vst v0  }
0x25: {  	[tilespmem:s1+$0x4020] =	vst v0  }
0x26: {  	[tilespmem:s1+$0x4030] =	vst v0  }
0x27: {  	[tilespmem:s1+$0x4040] =	vst v0  }
0x28: {  	[tilespmem:s1+$0x4050] =	vst v0  }
0x29: {  	[tilespmem:s1+$0x4060] =	vst v0  }
0x2a: {  	[spmem:s4] =	stream.linear.scatter [tilespmem:s23], [sflag:$0x4], $0x2800, $0x38;
	[tilespmem:$0x1F800] =	vst v63  }
0x2b: {  	_ = 	snop  }
0x2c: {  	[spmem:s7] =	stream.linear.scatter [tilespmem:s23], [sflag:$0x4], $0x2800, $0x38;
	[tilespmem:$0x1F800] =	vst v63  }
0x2d: {  	_ = 	snop  }
0x2e: {  	[spmem:s8] =	stream.linear.scatter [tilespmem:s23], [sflag:$0x4], $0x2800, $0x38;
	[tilespmem:$0x1F800] =	vst v63  }
0x2f: {  	_ = 	snop  }
0x30: {  	[spmem:s9] =	stream.linear.scatter [tilespmem:s23], [sflag:$0x4], $0x2800, $0x38;
	[tilespmem:$0x1F800] =	vst v63  }
0x31: {  	_ = 	snop  }
0x32: {  	[spmem:s10] =	stream.linear.scatter [tilespmem:s23], [sflag:$0x4], $0x2800, $0x38;
	[tilespmem:$0x1F800] =	vst v63  }
0x33: {  	_ = 	snop  }
0x34: {  	[spmem:s11] =	stream.linear.scatter [tilespmem:s23], [sflag:$0x4], $0x2800, $0x38;
	[tilespmem:$0x1F800] =	vst v63  }
0x35: {  	_ = 	snop  }
0x36: {  	[spmem:s12] =	stream.linear.scatter [tilespmem:s23], [sflag:$0x4], $0x2800, $0x38;
	[tilespmem:$0x1F800] =	vst v63  }
0x37: {  	_ = 	snop  }
0x38: {  	[spmem:s13] =	stream.linear.scatter [tilespmem:s23], [sflag:$0x4], $0x2800, $0x38;
	[tilespmem:$0x1F800] =	vst v63  }
0x39: {  	s6 =	simm.s32 $0x0  }
0x3a: {  	[tilespmem:s6], [sflag:$0x5] =	stream.linear.gather [hbm4b:s14+s6], $0x3E80, $0x38;
	[tilespmem:$0x1F800] =	vst v63  }
0x3b: {  	_ =	swait.ge [sflag:s24], $0x3E80  }
0x3c: {  	[sflag:s24] =	ssyncset.done $0x0  }
0x3d: {  	[sflag:s24] =	ssyncadd.s32 $0xFFFFC180  }
0x3e: {  	_ =	swait.ge [sflag:s25], $0x2800  }
0x3f: {  	[sflag:s25] =	ssyncset.done $0x0  }
0x40: {  	[sflag:s25] =	ssyncadd.s32 $0xFFFFD800  }
0x41: {  	_ =	swait.ge [sflag:s25], $0x2800  }
0x42: {  	[sflag:s25] =	ssyncset.done $0x0  }
0x43: {  	[sflag:s25] =	ssyncadd.s32 $0xFFFFD800  }
0x44: {  	_ =	swait.ge [sflag:s25], $0x2800  }
0x45: {  	[sflag:s25] =	ssyncset.done $0x0  }
0x46: {  	[sflag:s25] =	ssyncadd.s32 $0xFFFFD800  }
0x47: {  	_ =	swait.ge [sflag:s25], $0x2800  }
0x48: {  	[sflag:s25] =	ssyncset.done $0x0  }
0x49: {  	[sflag:s25] =	ssyncadd.s32 $0xFFFFD800  }
0x4a: {  	_ =	swait.ge [sflag:s25], $0x2800  }
0x4b: {  	[sflag:s25] =	ssyncset.done $0x0  }
0x4c: {  	[sflag:s25] =	ssyncadd.s32 $0xFFFFD800  }
0x4d: {  	_ =	swait.ge [sflag:s25], $0x2800  }
0x4e: {  	[sflag:s25] =	ssyncset.done $0x0  }
0x4f: {  	[sflag:s25] =	ssyncadd.s32 $0xFFFFD800  }
0x50: {  	_ =	swait.ge [sflag:s25], $0x2800  }
0x51: {  	[sflag:s25] =	ssyncset.done $0x0  }
0x52: {  	[sflag:s25] =	ssyncadd.s32 $0xFFFFD800  }
0x53: {  	_ =	swait.ge [sflag:s25], $0x2800  }
0x54: {  	[sflag:s25] =	ssyncset.done $0x0  }
0x55: {  	[sflag:s25] =	ssyncadd.s32 $0xFFFFD800  }
0x56: {  	[tilespmem:s23], [sflag:$0x1] =	stream.linear.gather [hbm4b:s15+s6], $0x2800, $0x38;
	[tilespmem:$0x1F800] =	vst v63  }
0x57: {  	[bflag:$0x0] =	sbarrier.arrive $0xFFFF  }
0x58: {  	_ =	swait.ge [sflag:s26], $0x2800  }
0x59: {  	[sflag:s26] =	ssyncset.done $0x0  }
0x5a: {  	s5 =	simm.s32 $0x0;
	[sflag:s26] =	ssyncadd.s32 $0xFFFFD800  }
0x5b: {  	[spmem:s2] =	stream.indirect.scatter.add.f32 [tilespmem:s23], [sflag:$0x5], $0x80, s5, s28, $0xb8;
	[tilespmem:$0x1F800] =	vst v63  }
0x5c: {  	_ =	swait.ge [sflag:s24], $0x2800  }
0x5d: {  	s1 =	sadd.s32 $0x0, s20;
	[sflag:s24] =	ssyncset.done $0x0  }
0x5e: {  	s5 =	sadd.s32 $0xF00, s1;
	[sflag:s24] =	ssyncadd.s32 $0xFFFFD800  }
0x5f: {  	[tilespmem:s23], [sflag:$0x1] =	stream.linear.gather [hbm4b:s5+s3], $0x2800, $0x38;
	[tilespmem:$0x1F800] =	vst v63  }
0x60: {  	_ =	swait.ge [sflag:s29], $0x2800  }
0x61: {  	[sflag:s29] =	ssyncset.done $0x0  }
0x62: {  	s6 =	simm.s32 $0x80;
	[sflag:s29] =	ssyncadd.s32 $0xFFFFD800  }
0x63: {  	[spmem:s2] =	stream.indirect.scatter.add.f32 [tilespmem:s21], [sflag:$0x5], $0x80, s6, s28, $0xb8;
	[tilespmem:$0x1F800] =	vst v63  }
0x64: {  	_ =	swait.ge [sflag:s24], $0x2800  }
0x65: {  	[sflag:s24] =	ssyncset.done $0x0  }
0x66: {  	s6 =	sadd.s32 $0x1400, s1;
	[sflag:s24] =	ssyncadd.s32 $0xFFFFD800  }
0x67: {  	[tilespmem:s21], [sflag:$0x2] =	stream.linear.gather [hbm4b:s6+s3], $0x2800, $0x38;
	[tilespmem:$0x1F800] =	vst v63  }
0x68: {  	_ =	swait.ge [sflag:s30], $0x2800  }
0x69: {  	[sflag:s30] =	ssyncset.done $0x0  }
0x6a: {  	s6 =	simm.s32 $0x100;
	[sflag:s30] =	ssyncadd.s32 $0xFFFFD800  }
0x6b: {  	[spmem:s2] =	stream.indirect.scatter.add.f32 [tilespmem:s22], [sflag:$0x5], $0x80, s6, s28, $0xb8;
	[tilespmem:$0x1F800] =	vst v63  }
0x6c: {  	_ =	swait.ge [sflag:s24], $0x2800  }
0x6d: {  	s31 =	simm.s32 $0xF00;
	[sflag:s24] =	ssyncset.done $0x0  }
0x6e: {  	s5 =	sadd.s32 $0x1900, s1;
	s1 =	simm.s32 $0x280;
	[sflag:s24] =	ssyncadd.s32 $0xFFFFD800  }
.LBB2_4:
0x6f: {  	[tilespmem:s22], [sflag:$0x3] =	stream.linear.gather [hbm4b:s5+s3], $0x2800, $0x38;
	[tilespmem:$0x1F800] =	vst v63  }
0x70: {  	s5 =	smov.u32 s31  }
0x71: {  	p0 =	sne.s32 s31, $0x24900;
	s31 =	sadd.s32 $0xF00, s31;
	_ =	swait.ge [sflag:s26], $0x2800  }
0x72: {  	[sflag:s26] =	ssyncset.done $0x0  }
0x73: {  	s6 =	sadd.s32 $0xFFFFFF00, s1;
	[sflag:s26] =	ssyncadd.s32 $0xFFFFD800  }
0x74: {  	[spmem:s2] =	stream.indirect.scatter.add.f32 [tilespmem:s23], [sflag:$0x5], $0x80, s6, s28, $0xb8;
	[tilespmem:$0x1F800] =	vst v63  }
0x75: {  	_ =	swait.ge [sflag:s24], $0x2800  }
0x76: {  	s5 =	sadd.s32 s5, s20;
	[sflag:s24] =	ssyncset.done $0x0  }
0x77: {  	s6 =	sadd.s32 $0xF00, s5;
	[sflag:s24] =	ssyncadd.s32 $0xFFFFD800  }
0x78: {  	[tilespmem:s23], [sflag:$0x1] =	stream.linear.gather [hbm4b:s6+s3], $0x2800, $0x38;
	[tilespmem:$0x1F800] =	vst v63  }
0x79: {  	_ =	swait.ge [sflag:s29], $0x2800  }
0x7a: {  	[sflag:s29] =	ssyncset.done $0x0  }
0x7b: {  	s6 =	sadd.s32 $0xFFFFFF80, s1;
	[sflag:s29] =	ssyncadd.s32 $0xFFFFD800  }
0x7c: {  	[spmem:s2] =	stream.indirect.scatter.add.f32 [tilespmem:s21], [sflag:$0x5], $0x80, s6, s28, $0xb8;
	[tilespmem:$0x1F800] =	vst v63  }
0x7d: {  	_ =	swait.ge [sflag:s24], $0x2800  }
0x7e: {  	[sflag:s24] =	ssyncset.done $0x0  }
0x7f: {  	s6 =	sadd.s32 $0x1400, s5;
	[sflag:s24] =	ssyncadd.s32 $0xFFFFD800  }
0x80: {  	[tilespmem:s21], [sflag:$0x2] =	stream.linear.gather [hbm4b:s6+s3], $0x2800, $0x38;
	[tilespmem:$0x1F800] =	vst v63  }
0x81: {  	_ =	swait.ge [sflag:s30], $0x2800  }
0x82: {  	[sflag:s30] =	ssyncset.done $0x0  }
.Ltmp1:
0x83: {  	[sflag:s30] =	ssyncadd.s32 $0xFFFFD800;
	(pc) =	sbr.rel @p0 .LBB2_4-.Ltmp1, $4  }
0x84: {  	[spmem:s2] =	stream.indirect.scatter.add.f32 [tilespmem:s22], [sflag:$0x5], $0x80, s1, s28, $0xb8;
	[tilespmem:$0x1F800] =	vst v63  }
0x85: {  	_ =	swait.ge [sflag:s24], $0x2800  }
0x86: {  	[sflag:s24] =	ssyncset.done $0x0  }
0x87: {  	s5 =	sadd.s32 $0x1900, s5;
	s1 =	sadd.s32 $0x180, s1;
	[sflag:s24] =	ssyncadd.s32 $0xFFFFD800  }
0x88: {  	[tilespmem:s22], [sflag:$0x3] =	stream.linear.gather [hbm4b:s5+s3], $0x2800, $0x38;
	[tilespmem:$0x1F800] =	vst v63  }
0x89: {  	_ =	swait.ge [sflag:s26], $0x2800  }
0x8a: {  	[sflag:s26] =	ssyncset.done $0x0  }
0x8b: {  	s1 =	simm.s32 $0x3C00;
	[sflag:s26] =	ssyncadd.s32 $0xFFFFD800  }
0x8c: {  	[spmem:s2] =	stream.indirect.scatter.add.f32 [tilespmem:s23], [sflag:$0x5], $0x80, s1, s28, $0xb8;
	[tilespmem:$0x1F800] =	vst v63  }
0x8d: {  	_ =	swait.ge [sflag:s24], $0x2800  }
0x8e: {  	[sflag:s24] =	ssyncset.done $0x0  }
0x8f: {  	[sflag:s24] =	ssyncadd.s32 $0xFFFFD800  }
0x90: {  	[tilespmem:s23], [sflag:$0x1] =	stream.linear.gather [hbm4b:s16+s3], $0x2800, $0x38;
	[tilespmem:$0x1F800] =	vst v63  }
0x91: {  	_ =	swait.ge [sflag:s29], $0x2800  }
0x92: {  	[sflag:s29] =	ssyncset.done $0x0  }
0x93: {  	s5 =	simm.s32 $0x3C80;
	[sflag:s29] =	ssyncadd.s32 $0xFFFFD800  }
0x94: {  	[spmem:s2] =	stream.indirect.scatter.add.f32 [tilespmem:s21], [sflag:$0x5], $0x80, s5, s28, $0xb8;
	[tilespmem:$0x1F800] =	vst v63  }
0x95: {  	_ =	swait.ge [sflag:s24], $0x2800  }
0x96: {  	[sflag:s24] =	ssyncset.done $0x0  }
0x97: {  	[sflag:s24] =	ssyncadd.s32 $0xFFFFD800  }
0x98: {  	[tilespmem:s21], [sflag:$0x2] =	stream.linear.gather [hbm4b:s17+s3], $0x2800, $0x38;
	[tilespmem:$0x1F800] =	vst v63  }
0x99: {  	_ =	swait.ge [sflag:s30], $0x2800  }
0x9a: {  	[sflag:s30] =	ssyncset.done $0x0  }
0x9b: {  	s6 =	simm.s32 $0x3D00;
	[sflag:s30] =	ssyncadd.s32 $0xFFFFD800  }
0x9c: {  	[spmem:s2] =	stream.indirect.scatter.add.f32 [tilespmem:s22], [sflag:$0x5], $0x80, s6, s28, $0xb8;
	[tilespmem:$0x1F800] =	vst v63  }
0x9d: {  	_ =	swait.ge [sflag:s24], $0x2800  }
0x9e: {  	[sflag:s24] =	ssyncset.done $0x0  }
0x9f: {  	[sflag:s24] =	ssyncadd.s32 $0xFFFFD800  }
0xa0: {  	_ =	swait.ge [sflag:s26], $0x2800  }
0xa1: {  	[sflag:s26] =	ssyncset.done $0x0  }
0xa2: {  	s31 =	simm.s32 $0x3D80;
	[sflag:s26] =	ssyncadd.s32 $0xFFFFD800  }
0xa3: {  	[spmem:s2] =	stream.indirect.scatter.add.f32 [tilespmem:s23], [sflag:$0x5], $0x80, s31, s28, $0xb8;
	[tilespmem:$0x1F800] =	vst v63  }
0xa4: {  	_ =	swait.ge [sflag:s24], $0x2800  }
0xa5: {  	[sflag:s24] =	ssyncset.done $0x0  }
0xa6: {  	[sflag:s24] =	ssyncadd.s32 $0xFFFFD800  }
0xa7: {  	_ =	swait.ge [sflag:s29], $0x2800  }
0xa8: {  	[sflag:s29] =	ssyncset.done $0x0  }
0xa9: {  	s5 =	simm.s32 $0x3E00;
	[sflag:s29] =	ssyncadd.s32 $0xFFFFD800  }
0xaa: {  	[spmem:s2] =	stream.indirect.scatter.add.f32 [tilespmem:s21], [sflag:$0x5], $0x80, s5, s28, $0xb8;
	[tilespmem:$0x1F800] =	vst v63  }
0xab: {  	s6 =	stileid.u32;
	_ =	swait.ge [sflag:s24], $0x2800  }
0xac: {  	s0 =	sadd.s32 $0x1, s0;
	s1 =	sshll.u32 s6, $0x6;
	[sflag:s24] =	ssyncset.done $0x0  }
0xad: {  	p0 =	sne.s32 s0, s19;
	s1 =	sor.u32 $0x1C05, s1;
	[sflag:s24] =	ssyncadd.s32 $0xFFFFD800  }
.Ltmp2:
0xae: {  	s31 =	sshrl.u32 s4, $0x3;
	[bflag:$0x0] =	sbarrier.arrive $0xFFFF;
	(pc) =	sbr.rel @p0 .LBB2_1-.Ltmp2, $4  }
0xaf: {  	[hbm:s18], [sflag:s1] =	dma.local [spmem:s31], $0x2800  }
0xb0: {  	_ =	swait.ge [sflag:s24], $0x2800  }
0xb1: {  	[sflag:s24] =	ssyncset.done $0x0  }
0xb2: {  	[sflag:s24] =	ssyncadd.s32 $0xFFFFD800  }
0xb3: {  	_ =	sfence.sel $0x180000  }
0xb4: {  	[bflag:$0x0] =	sbarrier.arrive $0xFFFF  }
0xb5: {  	_ =	strace $0x90000047  }
0xb6: {  	s0 =	stileid.u32;
	[bflag:$0x2] =	sbarrier.arrive $0xFFFF  }
0xb7: {  	p0 =	sne.s32 s0, $0x0;
	s0 =	rddreg [dreg:$0x4]  }
0xb8: {  	s0 =	sadd.s32 @!p0 $0x100000, s0  }
0xb9: {  	[sflag:s0] =	ssyncadd.tile.s32 @!p0 $0x1;
	_ =	shalt  }
.Lfunc_end2:
_tile_overlayer_lowered:
.L_overlay_start_2:
0xba: {  	(tag) =	ssettag $0x2  }
0xbb: {  	s0 =	rddreg [dreg:$0x0];
	s2 =	stileid.u32  }
0xbc: {  	s1 =	rddreg [dreg:$0x1];
	p0 =	sne.s32 s2, $0x0  }
0xbd: {  	s3 =	rddreg [dreg:$0x2];
	[bflag:$0x3] =	sbarrier.arrive $0xFFFF;
	s2 =	simm.s32 @!p0 $0x1C05  }
0xbe: {  	[timem:s3], [sflag:s2] =	dma.local @!p0 [hbm:s0], s1  }
0xbf: {  	s0 =	simm.s32 @!p0 $0x5  }
0xc0: {  	_ =	swait.ge @!p0 [sflag:s0], s1  }
0xc1: {  	s1 =	ssub.s32 @!p0 $0x0, s1;
	[sflag:s0] =	ssyncset.done @!p0 $0x0  }
0xc2: {  	[sflag:s0] =	ssyncadd.s32 @!p0 s1  }
0xc3: {  	[bflag:$0x3] =	sbarrier.arrive $0xFFFF  }
0xc4: {  	_ =	shalt  }

</sc_bundles>
